<compile_context>
chip_gen: v7x
topology: tpu7x:2x2x1
jax: 0.10.2.dev20260603
libtpu: 0.0.44.dev20260713+nightly
codegen_flags: <defaults>
</compile_context>

<pallas_src>
import functools

import jax
import jax.numpy as jnp
from jax import lax
from jax.experimental import pallas as pl
from jax.experimental.pallas import tpu as pltpu
from jax.experimental.pallas import tpu_sc as plsc

RANK = 64
CHUNKS = 2
NUM_NODES = 262144
B = 256
N = 128
ROWS = B * N
D = RANK * CHUNKS
HID = 10 * RANK

NC = 2
NS = 16
NW = NC * NS
ROWS_PER_W = ROWS // NW
GCHUNK = 512
N_GCHUNKS = ROWS_PER_W // GCHUNK


def _sc_gather_body(idx_hbm, table_hbm, mask_hbm, emb_out, mask_out,
                    idx_v, rows_v, mval_v, sem, sem2):
    wid = lax.axis_index("s") * NC + lax.axis_index("c")
    base = wid * ROWS_PER_W
    for c in range(N_GCHUNKS):
        off = base + c * GCHUNK
        pltpu.sync_copy(idx_hbm.at[pl.ds(off, GCHUNK)], idx_v)
        row_cp = pltpu.async_copy(table_hbm.at[idx_v], rows_v, sem)
        msk_cp = pltpu.async_copy(mask_hbm.at[idx_v], mval_v, sem2)
        row_cp.wait()
        msk_cp.wait()
        pltpu.sync_copy(rows_v, emb_out.at[pl.ds(off, GCHUNK)])
        pltpu.sync_copy(mval_v, mask_out.at[pl.ds(off, GCHUNK)])


@functools.cache
def _sc_gather():
    return pl.kernel(
        _sc_gather_body,
        out_type=(
            jax.ShapeDtypeStruct((ROWS, D), jnp.float32),
            jax.ShapeDtypeStruct((ROWS,), jnp.int32),
        ),
        mesh=plsc.VectorSubcoreMesh(
            core_axis_name="c", subcore_axis_name="s",
            num_cores=NC, num_subcores=NS,
        ),
        scratch_types=[
            pltpu.VMEM((GCHUNK,), jnp.int32),
            pltpu.VMEM((GCHUNK, D), jnp.float32),
            pltpu.VMEM((GCHUNK,), jnp.int32),
            pltpu.SemaphoreType.DMA,
            pltpu.SemaphoreType.DMA,
        ],
        compiler_params=pltpu.CompilerParams(use_tc_tiling_on_sc=True),
    )


def _mlp_body(e_ref, q0_ref, q1_ref, m_ref, w1a_ref, w1b_ref, w2a_ref, w2b_ref,
              b1_ref, b2_ref, o0_ref, o1_ref, x_ref, w1s, w2s):
    bs = q0_ref.shape[0]

    @pl.when(pl.program_id(0) == 0)
    def _pack():
        zb = jnp.zeros((RANK, HID), jnp.bfloat16)
        w1s[0:RANK, 0:HID] = w1a_ref[0:RANK, :].astype(jnp.bfloat16)
        w1s[RANK:D, 0:HID] = zb
        w1s[D:2 * D, 0:HID] = w1a_ref[RANK:3 * RANK, :].astype(jnp.bfloat16)
        w1s[0:RANK, HID:2 * HID] = zb
        w1s[RANK:D, HID:2 * HID] = w1b_ref[0:RANK, :].astype(jnp.bfloat16)
        w1s[D:2 * D, HID:2 * HID] = w1b_ref[RANK:3 * RANK, :].astype(jnp.bfloat16)
        zc = jnp.zeros((HID, RANK), jnp.bfloat16)
        w2s[0:HID, 0:RANK] = w2a_ref[...].astype(jnp.bfloat16)
        w2s[0:HID, RANK:D] = zc
        w2s[HID:2 * HID, 0:RANK] = zc
        w2s[HID:2 * HID, RANK:D] = w2b_ref[...].astype(jnp.bfloat16)

    x_ref[:, 0:D] = e_ref[...].astype(jnp.bfloat16)
    for j in range(bs):
        x_ref[pl.ds(j * N, N), D:D + RANK] = q0_ref[j, :, :].astype(jnp.bfloat16)
        x_ref[pl.ds(j * N, N), D + RANK:2 * D] = (
            q1_ref[j, :, :].astype(jnp.bfloat16))
    h = jnp.dot(x_ref[...], w1s[...], preferred_element_type=jnp.float32)
    h = jnp.maximum(h + b1_ref[...], 0.0).astype(jnp.bfloat16)
    y = jnp.dot(h, w2s[...], preferred_element_type=jnp.float32)
    y = y + b2_ref[...]
    nonleaf = m_ref[...] == 0
    out = jnp.where(nonleaf, y, e_ref[...])
    for j in range(bs):
        o0_ref[j, :, :] = out[j * N:(j + 1) * N, 0:RANK]
        o1_ref[j, :, :] = out[j * N:(j + 1) * N, RANK:D]


def _run_mlp(embeds, q0, q1, mask2d, w1a, w1b, w2a, w2b, b1p, b2p, bs=32):
    grid = B // bs
    r = bs * N
    xin = 2 * D
    res = lambda i: (0, 0)
    return pl.pallas_call(
        _mlp_body,
        grid=(grid,),
        in_specs=[
            pl.BlockSpec((r, D), lambda i: (i, 0)),
            pl.BlockSpec((bs, N, RANK), lambda i: (i, 0, 0)),
            pl.BlockSpec((bs, N, RANK), lambda i: (i, 0, 0)),
            pl.BlockSpec((r, 1), lambda i: (i, 0)),
            pl.BlockSpec((3 * RANK, HID), res),
            pl.BlockSpec((3 * RANK, HID), res),
            pl.BlockSpec((HID, RANK), res),
            pl.BlockSpec((HID, RANK), res),
            pl.BlockSpec((1, 2 * HID), res),
            pl.BlockSpec((1, D), res),
        ],
        out_specs=[
            pl.BlockSpec((bs, N, RANK), lambda i: (i, 0, 0)),
            pl.BlockSpec((bs, N, RANK), lambda i: (i, 0, 0)),
        ],
        out_shape=[
            jax.ShapeDtypeStruct((B, N, RANK), jnp.float32),
            jax.ShapeDtypeStruct((B, N, RANK), jnp.float32),
        ],
        scratch_shapes=[
            pltpu.VMEM((r, xin), jnp.bfloat16),
            pltpu.VMEM((xin, 2 * HID), jnp.bfloat16),
            pltpu.VMEM((2 * HID, D), jnp.bfloat16),
        ],
    )(embeds, q0, q1, mask2d, w1a, w1b, w2a, w2b, b1p, b2p)


def kernel(nodeIdx, leaf_mask, q0, q1, table,
           qt0_w1, qt0_b1, qt0_w2, qt0_b2, qt1_w1, qt1_b1, qt1_w2, qt1_b2):
    flat_idx = nodeIdx.reshape(ROWS)
    embeds, mask = _sc_gather()(flat_idx, table, leaf_mask)
    b1p = jnp.concatenate([qt0_b1, qt1_b1]).reshape(1, 2 * HID)
    b2p = jnp.concatenate([qt0_b2, qt1_b2]).reshape(1, D)
    out0, out1 = _run_mlp(embeds, q0, q1, mask.reshape(ROWS, 1),
                          qt0_w1, qt1_w1, qt0_w2, qt1_w2, b1p, b2p)
    return out0, out1

# --- scband reference (transcript-rebuilt; emitter-appended) ---
"""Pipeline reference for scband-left-23055384445129 (READ-ONLY COPY).

The authoritative reference and input builder live on the scoring server;
editing this copy changes nothing except your own understanding.
"""

import jax, jax.numpy as jnp
import numpy as np

RANK = 64
CHUNKS = 2
NQ = 2
NUM_NODES = 262144
B = 256
N = 128


def setup_inputs(seed: int = 0) -> dict:
    key = jax.random.key(seed)
    ks = jax.random.split(key, 24)
    inp = {}
    inp["nodeIdx"] = jax.random.randint(ks[0], (B, N), 0, NUM_NODES, dtype=jnp.int32)
    inp["leaf_mask"] = jax.random.randint(ks[1], (NUM_NODES,), 0, 2, dtype=jnp.int32)
    inp["q0"] = jax.random.normal(ks[2], (B, N, RANK), dtype=jnp.float32)
    inp["q1"] = jax.random.normal(ks[3], (B, N, RANK), dtype=jnp.float32)
    inp["table"] = jax.random.normal(ks[4], (NUM_NODES, RANK * CHUNKS), dtype=jnp.float32) * 0.02
    kidx = 5
    for i in range(CHUNKS):
        inp[f"qt{i}_w1"] = jax.random.normal(ks[kidx], ((NQ + 1) * RANK, 10 * RANK), dtype=jnp.float32) * (1.0 / np.sqrt((NQ + 1) * RANK)); kidx += 1
        inp[f"qt{i}_b1"] = jnp.zeros((10 * RANK,), dtype=jnp.float32)
        inp[f"qt{i}_w2"] = jax.random.normal(ks[kidx], (10 * RANK, RANK), dtype=jnp.float32) * (1.0 / np.sqrt(10 * RANK)); kidx += 1
        inp[f"qt{i}_b2"] = jnp.zeros((RANK,), dtype=jnp.float32)
    return inp


def reference(nodeIdx, leaf_mask, q0, q1, table, qt0_w1, qt0_b1, qt0_w2, qt0_b2, qt1_w1, qt1_b1, qt1_w2, qt1_b2):
    # TreeNodeEmbeddings.forward with query provided (beam-search scoring path)
    embeds = jnp.take(table, nodeIdx, axis=0)              # [B, N, rank*chunks]
    e = jnp.split(embeds, CHUNKS, axis=-1)                 # chunks x [B, N, rank]
    nonleaf = (jnp.take(leaf_mask, nodeIdx, axis=0) == 0)[..., None]  # [B, N, 1]
    qcat = jnp.concatenate([q0, q1], axis=-1)              # [B, N, NQ*rank]
    params = [(qt0_w1, qt0_b1, qt0_w2, qt0_b2), (qt1_w1, qt1_b1, qt1_w2, qt1_b2)]
    outs = []
    for i in range(CHUNKS):
        w1, b1, w2, b2 = params[i]
        x = jnp.concatenate([e[i], qcat], axis=-1)         # [B, N, (NQ+1)*rank]
        h = jax.nn.relu(x @ w1 + b1)                       # [B, N, 10*rank]
        y = h @ w2 + b2                                    # [B, N, rank]
        # torch: output[nonLeafIdx] = q_transform(...[nonLeafIdx]); leaf rows keep raw embedding
        outs.append(jnp.where(nonleaf, y, e[i]))
    return tuple(outs)

if __name__ == "__main__":
    import jax
    _d = setup_inputs()
    print(jax.jit(kernel)(*tuple(_d.values())))

</pallas_src>

<mosaic_0001>
#map = affine_map<(d0, d1) -> (0)>
#map1 = affine_map<(d0, d1) -> (0, 0)>
module attributes {stable_mosaic.version = 14 : i64} {
  func.func @_sc_gather_body(%arg0: i32, %arg1: i32, %arg2: memref<32768xi32, #tpu.memory_space<hbm>>, %arg3: memref<262144x128xf32, #tpu.memory_space<hbm>>, %arg4: memref<262144xi32, #tpu.memory_space<hbm>>, %arg5: memref<32768x128xf32, #tpu.memory_space<hbm>>, %arg6: memref<32768xi32, #tpu.memory_space<hbm>>, %arg7: memref<512xi32, #tpu.memory_space<vmem>>, %arg8: memref<512x128xf32, #tpu.memory_space<vmem>>, %arg9: memref<512xi32, #tpu.memory_space<vmem>>, %arg10: memref<!tpu.dma_semaphore, #tpu.memory_space<semaphore_mem>>, %arg11: memref<!tpu.dma_semaphore, #tpu.memory_space<semaphore_mem>>) attributes {dimension_semantics = [#tpu.dimension_semantics<core_parallel>, #tpu.dimension_semantics<subcore_parallel>], iteration_bounds = array<i64: 2, 16>, scalar_prefetch = 0 : i64, scratch_operands = 5 : i64, tpu.core_type = #tpu.core_type<sc_vector_subcore>, window_params = [{transform_indices = #map}, {transform_indices = #map1}, {transform_indices = #map}, {transform_indices = #map1}, {transform_indices = #map}]} {
    %mul3A = arith.constant 2 : i32
    %mul3A_0 = arith.muli %arg1, %mul3A : i32
    %add3A = arith.addi %mul3A_0, %arg0 : i32
    %mul3A_1 = arith.constant 1024 : i32
    %mul3A_2 = arith.muli %add3A, %mul3A_1 : i32
    %add3A_3 = arith.constant 0 : i32
    %add3A_4 = arith.addi %mul3A_2, %add3A_3 : i32
    "tpu.region"() ({
      %run_scoped3A = tpu.sem_alloc : memref<!tpu.dma_semaphore, #tpu.memory_space<semaphore_mem>>
      %dma_start3A_25 = tpu.memref_slice %arg2[%add3A_4] : memref<32768xi32, #tpu.memory_space<hbm>> -> memref<512xi32, #tpu.memory_space<hbm>>
      %dma_start3A_26 = tpu.memref_slice %arg2[%add3A_4] : memref<32768xi32, #tpu.memory_space<hbm>> -> memref<512xi32, #tpu.memory_space<hbm>>
      tpu.enqueue_dma source(%dma_start3A_26 : memref<512xi32, #tpu.memory_space<hbm>>) target(%arg7 : memref<512xi32, #tpu.memory_space<vmem>>) target_semaphore(%run_scoped3A : memref<!tpu.dma_semaphore, #tpu.memory_space<semaphore_mem>>)
      %dma_wait3A_27 = tpu.memref_slice %arg2[%add3A_4] : memref<32768xi32, #tpu.memory_space<hbm>> -> memref<512xi32, #tpu.memory_space<hbm>>
      %dma_wait3A_28 = tpu.memref_slice %arg2[%add3A_4] : memref<32768xi32, #tpu.memory_space<hbm>> -> memref<512xi32, #tpu.memory_space<hbm>>
      tpu.wait_dma2 semaphore(%run_scoped3A : memref<!tpu.dma_semaphore, #tpu.memory_space<semaphore_mem>>) src(%dma_wait3A_28 : memref<512xi32, #tpu.memory_space<hbm>>) dst(%arg7 : memref<512xi32, #tpu.memory_space<vmem>>)
      tpu.yield
    }) : () -> ()
    %dma_start3A = arith.constant 0 : i32
    %dma_start3A_5 = arith.constant 0 : i32
    %dma_start3A_6 = tpu.memref_slice %arg3[%dma_start3A, %dma_start3A_5] : memref<262144x128xf32, #tpu.memory_space<hbm>> -> memref<262144x128xf32, #tpu.memory_space<hbm>>
    tpu.enqueue_indirect_dma source(%dma_start3A_6 : memref<262144x128xf32, #tpu.memory_space<hbm>>) target(%arg8 : memref<512x128xf32, #tpu.memory_space<vmem>>) offsets(%arg7 : memref<512xi32, #tpu.memory_space<vmem>>) semaphore(%arg10 : memref<!tpu.dma_semaphore, #tpu.memory_space<semaphore_mem>>)
    %dma_start3A_7 = arith.constant 0 : i32
    %dma_start3A_8 = tpu.memref_slice %arg4[%dma_start3A_7] : memref<262144xi32, #tpu.memory_space<hbm>> -> memref<262144xi32, #tpu.memory_space<hbm>>
    tpu.enqueue_indirect_dma source(%dma_start3A_8 : memref<262144xi32, #tpu.memory_space<hbm>>) target(%arg9 : memref<512xi32, #tpu.memory_space<vmem>>) offsets(%arg7 : memref<512xi32, #tpu.memory_space<vmem>>) semaphore(%arg11 : memref<!tpu.dma_semaphore, #tpu.memory_space<semaphore_mem>>)
    %dma_wait3A = arith.constant 0 : i32
    %dma_wait3A_9 = arith.constant 0 : i32
    %dma_wait3A_10 = tpu.memref_slice %arg3[%dma_wait3A, %dma_wait3A_9] : memref<262144x128xf32, #tpu.memory_space<hbm>> -> memref<262144x128xf32, #tpu.memory_space<hbm>>
    tpu.wait_indirect_dma semaphore(%arg10 : memref<!tpu.dma_semaphore, #tpu.memory_space<semaphore_mem>>) src(%dma_wait3A_10 : memref<262144x128xf32, #tpu.memory_space<hbm>>) dst(%arg8 : memref<512x128xf32, #tpu.memory_space<vmem>>)
    %dma_wait3A_11 = arith.constant 0 : i32
    %dma_wait3A_12 = tpu.memref_slice %arg4[%dma_wait3A_11] : memref<262144xi32, #tpu.memory_space<hbm>> -> memref<262144xi32, #tpu.memory_space<hbm>>
    tpu.wait_indirect_dma semaphore(%arg11 : memref<!tpu.dma_semaphore, #tpu.memory_space<semaphore_mem>>) src(%dma_wait3A_12 : memref<262144xi32, #tpu.memory_space<hbm>>) dst(%arg9 : memref<512xi32, #tpu.memory_space<vmem>>)
    "tpu.region"() ({
      %run_scoped3A = tpu.sem_alloc : memref<!tpu.dma_semaphore, #tpu.memory_space<semaphore_mem>>
      %dma_start3A_25 = arith.constant 0 : i32
      %dma_start3A_26 = tpu.memref_slice %arg5[%add3A_4, %dma_start3A_25] : memref<32768x128xf32, #tpu.memory_space<hbm>> -> memref<512x128xf32, #tpu.memory_space<hbm>>
      %dma_start3A_27 = arith.constant 0 : i32
      %dma_start3A_28 = tpu.memref_slice %arg5[%add3A_4, %dma_start3A_27] : memref<32768x128xf32, #tpu.memory_space<hbm>> -> memref<512x128xf32, #tpu.memory_space<hbm>>
      tpu.enqueue_dma source(%arg8 : memref<512x128xf32, #tpu.memory_space<vmem>>) target(%dma_start3A_28 : memref<512x128xf32, #tpu.memory_space<hbm>>) target_semaphore(%run_scoped3A : memref<!tpu.dma_semaphore, #tpu.memory_space<semaphore_mem>>)
      %dma_wait3A_29 = arith.constant 0 : i32
      %dma_wait3A_30 = tpu.memref_slice %arg5[%add3A_4, %dma_wait3A_29] : memref<32768x128xf32, #tpu.memory_space<hbm>> -> memref<512x128xf32, #tpu.memory_space<hbm>>
      %dma_wait3A_31 = arith.constant 0 : i32
      %dma_wait3A_32 = tpu.memref_slice %arg5[%add3A_4, %dma_wait3A_31] : memref<32768x128xf32, #tpu.memory_space<hbm>> -> memref<512x128xf32, #tpu.memory_space<hbm>>
      tpu.wait_dma2 semaphore(%run_scoped3A : memref<!tpu.dma_semaphore, #tpu.memory_space<semaphore_mem>>) src(%arg8 : memref<512x128xf32, #tpu.memory_space<vmem>>) dst(%dma_wait3A_32 : memref<512x128xf32, #tpu.memory_space<hbm>>)
      tpu.yield
    }) : () -> ()
    "tpu.region"() ({
      %run_scoped3A = tpu.sem_alloc : memref<!tpu.dma_semaphore, #tpu.memory_space<semaphore_mem>>
      %dma_start3A_25 = tpu.memref_slice %arg6[%add3A_4] : memref<32768xi32, #tpu.memory_space<hbm>> -> memref<512xi32, #tpu.memory_space<hbm>>
      %dma_start3A_26 = tpu.memref_slice %arg6[%add3A_4] : memref<32768xi32, #tpu.memory_space<hbm>> -> memref<512xi32, #tpu.memory_space<hbm>>
      tpu.enqueue_dma source(%arg9 : memref<512xi32, #tpu.memory_space<vmem>>) target(%dma_start3A_26 : memref<512xi32, #tpu.memory_space<hbm>>) target_semaphore(%run_scoped3A : memref<!tpu.dma_semaphore, #tpu.memory_space<semaphore_mem>>)
      %dma_wait3A_27 = tpu.memref_slice %arg6[%add3A_4] : memref<32768xi32, #tpu.memory_space<hbm>> -> memref<512xi32, #tpu.memory_space<hbm>>
      %dma_wait3A_28 = tpu.memref_slice %arg6[%add3A_4] : memref<32768xi32, #tpu.memory_space<hbm>> -> memref<512xi32, #tpu.memory_space<hbm>>
      tpu.wait_dma2 semaphore(%run_scoped3A : memref<!tpu.dma_semaphore, #tpu.memory_space<semaphore_mem>>) src(%arg9 : memref<512xi32, #tpu.memory_space<vmem>>) dst(%dma_wait3A_28 : memref<512xi32, #tpu.memory_space<hbm>>)
      tpu.yield
    }) : () -> ()
    %add3A_13 = arith.constant 512 : i32
    %add3A_14 = arith.addi %mul3A_2, %add3A_13 : i32
    "tpu.region"() ({
      %run_scoped3A = tpu.sem_alloc : memref<!tpu.dma_semaphore, #tpu.memory_space<semaphore_mem>>
      %dma_start3A_25 = tpu.memref_slice %arg2[%add3A_14] : memref<32768xi32, #tpu.memory_space<hbm>> -> memref<512xi32, #tpu.memory_space<hbm>>
      %dma_start3A_26 = tpu.memref_slice %arg2[%add3A_14] : memref<32768xi32, #tpu.memory_space<hbm>> -> memref<512xi32, #tpu.memory_space<hbm>>
      tpu.enqueue_dma source(%dma_start3A_26 : memref<512xi32, #tpu.memory_space<hbm>>) target(%arg7 : memref<512xi32, #tpu.memory_space<vmem>>) target_semaphore(%run_scoped3A : memref<!tpu.dma_semaphore, #tpu.memory_space<semaphore_mem>>)
      %dma_wait3A_27 = tpu.memref_slice %arg2[%add3A_14] : memref<32768xi32, #tpu.memory_space<hbm>> -> memref<512xi32, #tpu.memory_space<hbm>>
      %dma_wait3A_28 = tpu.memref_slice %arg2[%add3A_14] : memref<32768xi32, #tpu.memory_space<hbm>> -> memref<512xi32, #tpu.memory_space<hbm>>
      tpu.wait_dma2 semaphore(%run_scoped3A : memref<!tpu.dma_semaphore, #tpu.memory_space<semaphore_mem>>) src(%dma_wait3A_28 : memref<512xi32, #tpu.memory_space<hbm>>) dst(%arg7 : memref<512xi32, #tpu.memory_space<vmem>>)
      tpu.yield
    }) : () -> ()
    %dma_start3A_15 = arith.constant 0 : i32
    %dma_start3A_16 = arith.constant 0 : i32
    %dma_start3A_17 = tpu.memref_slice %arg3[%dma_start3A_15, %dma_start3A_16] : memref<262144x128xf32, #tpu.memory_space<hbm>> -> memref<262144x128xf32, #tpu.memory_space<hbm>>
    tpu.enqueue_indirect_dma source(%dma_start3A_17 : memref<262144x128xf32, #tpu.memory_space<hbm>>) target(%arg8 : memref<512x128xf32, #tpu.memory_space<vmem>>) offsets(%arg7 : memref<512xi32, #tpu.memory_space<vmem>>) semaphore(%arg10 : memref<!tpu.dma_semaphore, #tpu.memory_space<semaphore_mem>>)
    %dma_start3A_18 = arith.constant 0 : i32
    %dma_start3A_19 = tpu.memref_slice %arg4[%dma_start3A_18] : memref<262144xi32, #tpu.memory_space<hbm>> -> memref<262144xi32, #tpu.memory_space<hbm>>
    tpu.enqueue_indirect_dma source(%dma_start3A_19 : memref<262144xi32, #tpu.memory_space<hbm>>) target(%arg9 : memref<512xi32, #tpu.memory_space<vmem>>) offsets(%arg7 : memref<512xi32, #tpu.memory_space<vmem>>) semaphore(%arg11 : memref<!tpu.dma_semaphore, #tpu.memory_space<semaphore_mem>>)
    %dma_wait3A_20 = arith.constant 0 : i32
    %dma_wait3A_21 = arith.constant 0 : i32
    %dma_wait3A_22 = tpu.memref_slice %arg3[%dma_wait3A_20, %dma_wait3A_21] : memref<262144x128xf32, #tpu.memory_space<hbm>> -> memref<262144x128xf32, #tpu.memory_space<hbm>>
    tpu.wait_indirect_dma semaphore(%arg10 : memref<!tpu.dma_semaphore, #tpu.memory_space<semaphore_mem>>) src(%dma_wait3A_22 : memref<262144x128xf32, #tpu.memory_space<hbm>>) dst(%arg8 : memref<512x128xf32, #tpu.memory_space<vmem>>)
    %dma_wait3A_23 = arith.constant 0 : i32
    %dma_wait3A_24 = tpu.memref_slice %arg4[%dma_wait3A_23] : memref<262144xi32, #tpu.memory_space<hbm>> -> memref<262144xi32, #tpu.memory_space<hbm>>
    tpu.wait_indirect_dma semaphore(%arg11 : memref<!tpu.dma_semaphore, #tpu.memory_space<semaphore_mem>>) src(%dma_wait3A_24 : memref<262144xi32, #tpu.memory_space<hbm>>) dst(%arg9 : memref<512xi32, #tpu.memory_space<vmem>>)
    "tpu.region"() ({
      %run_scoped3A = tpu.sem_alloc : memref<!tpu.dma_semaphore, #tpu.memory_space<semaphore_mem>>
      %dma_start3A_25 = arith.constant 0 : i32
      %dma_start3A_26 = tpu.memref_slice %arg5[%add3A_14, %dma_start3A_25] : memref<32768x128xf32, #tpu.memory_space<hbm>> -> memref<512x128xf32, #tpu.memory_space<hbm>>
      %dma_start3A_27 = arith.constant 0 : i32
      %dma_start3A_28 = tpu.memref_slice %arg5[%add3A_14, %dma_start3A_27] : memref<32768x128xf32, #tpu.memory_space<hbm>> -> memref<512x128xf32, #tpu.memory_space<hbm>>
      tpu.enqueue_dma source(%arg8 : memref<512x128xf32, #tpu.memory_space<vmem>>) target(%dma_start3A_28 : memref<512x128xf32, #tpu.memory_space<hbm>>) target_semaphore(%run_scoped3A : memref<!tpu.dma_semaphore, #tpu.memory_space<semaphore_mem>>)
      %dma_wait3A_29 = arith.constant 0 : i32
      %dma_wait3A_30 = tpu.memref_slice %arg5[%add3A_14, %dma_wait3A_29] : memref<32768x128xf32, #tpu.memory_space<hbm>> -> memref<512x128xf32, #tpu.memory_space<hbm>>
      %dma_wait3A_31 = arith.constant 0 : i32
      %dma_wait3A_32 = tpu.memref_slice %arg5[%add3A_14, %dma_wait3A_31] : memref<32768x128xf32, #tpu.memory_space<hbm>> -> memref<512x128xf32, #tpu.memory_space<hbm>>
      tpu.wait_dma2 semaphore(%run_scoped3A : memref<!tpu.dma_semaphore, #tpu.memory_space<semaphore_mem>>) src(%arg8 : memref<512x128xf32, #tpu.memory_space<vmem>>) dst(%dma_wait3A_32 : memref<512x128xf32, #tpu.memory_space<hbm>>)
      tpu.yield
    }) : () -> ()
    "tpu.region"() ({
      %run_scoped3A = tpu.sem_alloc : memref<!tpu.dma_semaphore, #tpu.memory_space<semaphore_mem>>
      %dma_start3A_25 = tpu.memref_slice %arg6[%add3A_14] : memref<32768xi32, #tpu.memory_space<hbm>> -> memref<512xi32, #tpu.memory_space<hbm>>
      %dma_start3A_26 = tpu.memref_slice %arg6[%add3A_14] : memref<32768xi32, #tpu.memory_space<hbm>> -> memref<512xi32, #tpu.memory_space<hbm>>
      tpu.enqueue_dma source(%arg9 : memref<512xi32, #tpu.memory_space<vmem>>) target(%dma_start3A_26 : memref<512xi32, #tpu.memory_space<hbm>>) target_semaphore(%run_scoped3A : memref<!tpu.dma_semaphore, #tpu.memory_space<semaphore_mem>>)
      %dma_wait3A_27 = tpu.memref_slice %arg6[%add3A_14] : memref<32768xi32, #tpu.memory_space<hbm>> -> memref<512xi32, #tpu.memory_space<hbm>>
      %dma_wait3A_28 = tpu.memref_slice %arg6[%add3A_14] : memref<32768xi32, #tpu.memory_space<hbm>> -> memref<512xi32, #tpu.memory_space<hbm>>
      tpu.wait_dma2 semaphore(%run_scoped3A : memref<!tpu.dma_semaphore, #tpu.memory_space<semaphore_mem>>) src(%arg9 : memref<512xi32, #tpu.memory_space<vmem>>) dst(%dma_wait3A_28 : memref<512xi32, #tpu.memory_space<hbm>>)
      tpu.yield
    }) : () -> ()
    return
  }
}

module attributes {stable_mosaic.version = 14 : i64} {
  func.func @_mlp_body(%arg0: i32, %arg1: memref<4096x128xf32, #tpu.memory_space<vmem>>, %arg2: memref<32x128x64xf32, #tpu.memory_space<vmem>>, %arg3: memref<32x128x64xf32, #tpu.memory_space<vmem>>, %arg4: memref<4096x1xi32, #tpu.memory_space<vmem>>, %arg5: memref<192x640xf32, #tpu.memory_space<vmem>>, %arg6: memref<192x640xf32, #tpu.memory_space<vmem>>, %arg7: memref<640x64xf32, #tpu.memory_space<vmem>>, %arg8: memref<640x64xf32, #tpu.memory_space<vmem>>, %arg9: memref<1x1280xf32, #tpu.memory_space<vmem>>, %arg10: memref<1x128xf32, #tpu.memory_space<vmem>>, %arg11: memref<32x128x64xf32, #tpu.memory_space<vmem>>, %arg12: memref<32x128x64xf32, #tpu.memory_space<vmem>>, %arg13: memref<4096x256xbf16, #tpu.memory_space<vmem>>, %arg14: memref<256x1280xbf16, #tpu.memory_space<vmem>>, %arg15: memref<1280x128xbf16, #tpu.memory_space<vmem>>) attributes {dimension_semantics = [#tpu.dimension_semantics<arbitrary>], iteration_bounds = array<i64: 8>, scalar_prefetch = 0 : i64, scratch_operands = 3 : i64, tpu.core_type = #tpu.core_type<tc>, window_params = [{transform_indices = @transform_0, window_bounds = array<i64: 4096, 128>}, {transform_indices = @transform_1, window_bounds = array<i64: 32, 128, 64>}, {transform_indices = @transform_2, window_bounds = array<i64: 32, 128, 64>}, {transform_indices = @transform_3, window_bounds = array<i64: 4096, 1>}, {pipeline_mode = #tpu.pipeline_mode<synchronous>, transform_indices = @transform_4, window_bounds = array<i64: 192, 640>}, {pipeline_mode = #tpu.pipeline_mode<synchronous>, transform_indices = @transform_5, window_bounds = array<i64: 192, 640>}, {pipeline_mode = #tpu.pipeline_mode<synchronous>, transform_indices = @transform_6, window_bounds = array<i64: 640, 64>}, {pipeline_mode = #tpu.pipeline_mode<synchronous>, transform_indices = @transform_7, window_bounds = array<i64: 640, 64>}, {pipeline_mode = #tpu.pipeline_mode<synchronous>, transform_indices = @transform_8, window_bounds = array<i64: 1, 1280>}, {pipeline_mode = #tpu.pipeline_mode<synchronous>, transform_indices = @transform_9, window_bounds = array<i64: 1, 128>}, {transform_indices = @transform_10, window_bounds = array<i64: 32, 128, 64>}, {transform_indices = @transform_11, window_bounds = array<i64: 32, 128, 64>}]} {
    %eq3A = arith.constant 0 : i32
    %eq3A_0 = arith.cmpi eq, %arg0, %eq3A : i32
    %convert_element_type3A = arith.extui %eq3A_0 : i1 to i32
    %cond3A = arith.constant 0 : i32
    %cond3A_1 = arith.cmpi ne, %convert_element_type3A, %cond3A : i32
    scf.if %cond3A_1 {
      %broadcast_in_dim3A_1064 = arith.constant 0.000000e+00 : bf16
      %broadcast_in_dim3A_1065 = vector.broadcast %broadcast_in_dim3A_1064 : bf16 to vector<64x640xbf16>
      %get3A_1066 = arith.constant 0 : index
      %get3A_1067 = arith.constant 0 : index
      %get3A_1068 = vector.load %arg5[%get3A_1066, %get3A_1067] : memref<192x640xf32, #tpu.memory_space<vmem>>, vector<64x640xf32>
      %convert_element_type3A_1069 = arith.truncf %get3A_1068 : vector<64x640xf32> to vector<64x640xbf16>
      %swap3A_1070 = arith.constant 0 : index
      %swap3A_1071 = arith.constant 0 : index
      %swap3A_1072 = vector.load %arg14[%swap3A_1070, %swap3A_1071] : memref<256x1280xbf16, #tpu.memory_space<vmem>>, vector<64x640xbf16>
      tpu.vector_store %arg14[%swap3A_1070, %swap3A_1071], %convert_element_type3A_1069 {strides = array<i32>} : memref<256x1280xbf16, #tpu.memory_space<vmem>>, vector<64x640xbf16>,
      %swap3A_1073 = arith.constant 64 : index
      %swap3A_1074 = arith.constant 0 : index
      %swap3A_1075 = vector.load %arg14[%swap3A_1073, %swap3A_1074] : memref<256x1280xbf16, #tpu.memory_space<vmem>>, vector<64x640xbf16>
      tpu.vector_store %arg14[%swap3A_1073, %swap3A_1074], %broadcast_in_dim3A_1065 {strides = array<i32>} : memref<256x1280xbf16, #tpu.memory_space<vmem>>, vector<64x640xbf16>,
      %get3A_1076 = arith.constant 64 : index
      %get3A_1077 = arith.constant 0 : index
      %get3A_1078 = vector.load %arg5[%get3A_1076, %get3A_1077] : memref<192x640xf32, #tpu.memory_space<vmem>>, vector<128x640xf32>
      %convert_element_type3A_1079 = arith.truncf %get3A_1078 : vector<128x640xf32> to vector<128x640xbf16>
      %swap3A_1080 = arith.constant 128 : index
      %swap3A_1081 = arith.constant 0 : index
      %swap3A_1082 = vector.load %arg14[%swap3A_1080, %swap3A_1081] : memref<256x1280xbf16, #tpu.memory_space<vmem>>, vector<128x640xbf16>
      tpu.vector_store %arg14[%swap3A_1080, %swap3A_1081], %convert_element_type3A_1079 {strides = array<i32>} : memref<256x1280xbf16, #tpu.memory_space<vmem>>, vector<128x640xbf16>,
      %swap3A_1083 = arith.constant 0 : index
      %swap3A_1084 = arith.constant 640 : index
      %swap3A_1085 = vector.load %arg14[%swap3A_1083, %swap3A_1084] : memref<256x1280xbf16, #tpu.memory_space<vmem>>, vector<64x640xbf16>
      tpu.vector_store %arg14[%swap3A_1083, %swap3A_1084], %broadcast_in_dim3A_1065 {strides = array<i32>} : memref<256x1280xbf16, #tpu.memory_space<vmem>>, vector<64x640xbf16>,
      %get3A_1086 = arith.constant 0 : index
      %get3A_1087 = arith.constant 0 : index
      %get3A_1088 = vector.load %arg6[%get3A_1086, %get3A_1087] : memref<192x640xf32, #tpu.memory_space<vmem>>, vector<64x640xf32>
      %convert_element_type3A_1089 = arith.truncf %get3A_1088 : vector<64x640xf32> to vector<64x640xbf16>
      %swap3A_1090 = arith.constant 64 : index
      %swap3A_1091 = arith.constant 640 : index
      %swap3A_1092 = vector.load %arg14[%swap3A_1090, %swap3A_1091] : memref<256x1280xbf16, #tpu.memory_space<vmem>>, vector<64x640xbf16>
      tpu.vector_store %arg14[%swap3A_1090, %swap3A_1091], %convert_element_type3A_1089 {strides = array<i32>} : memref<256x1280xbf16, #tpu.memory_space<vmem>>, vector<64x640xbf16>,
      %get3A_1093 = arith.constant 64 : index
      %get3A_1094 = arith.constant 0 : index
      %get3A_1095 = vector.load %arg6[%get3A_1093, %get3A_1094] : memref<192x640xf32, #tpu.memory_space<vmem>>, vector<128x640xf32>
      %convert_element_type3A_1096 = arith.truncf %get3A_1095 : vector<128x640xf32> to vector<128x640xbf16>
      %swap3A_1097 = arith.constant 128 : index
      %swap3A_1098 = arith.constant 640 : index
      %swap3A_1099 = vector.load %arg14[%swap3A_1097, %swap3A_1098] : memref<256x1280xbf16, #tpu.memory_space<vmem>>, vector<128x640xbf16>
      tpu.vector_store %arg14[%swap3A_1097, %swap3A_1098], %convert_element_type3A_1096 {strides = array<i32>} : memref<256x1280xbf16, #tpu.memory_space<vmem>>, vector<128x640xbf16>,
      %broadcast_in_dim3A_1100 = arith.constant 0.000000e+00 : bf16
      %broadcast_in_dim3A_1101 = vector.broadcast %broadcast_in_dim3A_1100 : bf16 to vector<640x64xbf16>
      %get3A_1102 = arith.constant 0 : index
      %get3A_1103 = arith.constant 0 : index
      %get3A_1104 = vector.load %arg7[%get3A_1102, %get3A_1103] : memref<640x64xf32, #tpu.memory_space<vmem>>, vector<640x64xf32>
      %convert_element_type3A_1105 = arith.truncf %get3A_1104 : vector<640x64xf32> to vector<640x64xbf16>
      %swap3A_1106 = arith.constant 0 : index
      %swap3A_1107 = arith.constant 0 : index
      %swap3A_1108 = vector.load %arg15[%swap3A_1106, %swap3A_1107] : memref<1280x128xbf16, #tpu.memory_space<vmem>>, vector<640x64xbf16>
      tpu.vector_store %arg15[%swap3A_1106, %swap3A_1107], %convert_element_type3A_1105 {strides = array<i32>} : memref<1280x128xbf16, #tpu.memory_space<vmem>>, vector<640x64xbf16>,
      %swap3A_1109 = arith.constant 0 : index
      %swap3A_1110 = arith.constant 64 : index
      %swap3A_1111 = vector.load %arg15[%swap3A_1109, %swap3A_1110] : memref<1280x128xbf16, #tpu.memory_space<vmem>>, vector<640x64xbf16>
      tpu.vector_store %arg15[%swap3A_1109, %swap3A_1110], %broadcast_in_dim3A_1101 {strides = array<i32>} : memref<1280x128xbf16, #tpu.memory_space<vmem>>, vector<640x64xbf16>,
      %swap3A_1112 = arith.constant 640 : index
      %swap3A_1113 = arith.constant 0 : index
      %swap3A_1114 = vector.load %arg15[%swap3A_1112, %swap3A_1113] : memref<1280x128xbf16, #tpu.memory_space<vmem>>, vector<640x64xbf16>
      tpu.vector_store %arg15[%swap3A_1112, %swap3A_1113], %broadcast_in_dim3A_1101 {strides = array<i32>} : memref<1280x128xbf16, #tpu.memory_space<vmem>>, vector<640x64xbf16>,
      %get3A_1115 = arith.constant 0 : index
      %get3A_1116 = arith.constant 0 : index
      %get3A_1117 = vector.load %arg8[%get3A_1115, %get3A_1116] : memref<640x64xf32, #tpu.memory_space<vmem>>, vector<640x64xf32>
      %convert_element_type3A_1118 = arith.truncf %get3A_1117 : vector<640x64xf32> to vector<640x64xbf16>
      %swap3A_1119 = arith.constant 640 : index
      %swap3A_1120 = arith.constant 64 : index
      %swap3A_1121 = vector.load %arg15[%swap3A_1119, %swap3A_1120] : memref<1280x128xbf16, #tpu.memory_space<vmem>>, vector<640x64xbf16>
      tpu.vector_store %arg15[%swap3A_1119, %swap3A_1120], %convert_element_type3A_1118 {strides = array<i32>} : memref<1280x128xbf16, #tpu.memory_space<vmem>>, vector<640x64xbf16>,
    } else {
    }
    %get3A = arith.constant 0 : index
    %get3A_2 = arith.constant 0 : index
    %get3A_3 = vector.load %arg1[%get3A, %get3A_2] : memref<4096x128xf32, #tpu.memory_space<vmem>>, vector<4096x128xf32>
    %convert_element_type3A_4 = arith.truncf %get3A_3 : vector<4096x128xf32> to vector<4096x128xbf16>
    %swap3A = arith.constant 0 : index
    %swap3A_5 = arith.constant 0 : index
    %swap3A_6 = vector.load %arg13[%swap3A, %swap3A_5] : memref<4096x256xbf16, #tpu.memory_space<vmem>>, vector<4096x128xbf16>
    tpu.vector_store %arg13[%swap3A, %swap3A_5], %convert_element_type3A_4 {strides = array<i32>} : memref<4096x256xbf16, #tpu.memory_space<vmem>>, vector<4096x128xbf16>,
    %get3A_7 = arith.constant 0 : index
    %get3A_8 = arith.constant 0 : index
    %get3A_9 = arith.constant 0 : index
    %get3A_10 = vector.load %arg2[%get3A_7, %get3A_8, %get3A_9] : memref<32x128x64xf32, #tpu.memory_space<vmem>>, vector<1x128x64xf32>
    %get3A_11 = vector.shape_cast %get3A_10 : vector<1x128x64xf32> to vector<128x64xf32>
    %convert_element_type3A_12 = arith.truncf %get3A_11 : vector<128x64xf32> to vector<128x64xbf16>
    %swap3A_13 = arith.constant 0 : index
    %swap3A_14 = arith.constant 128 : index
    %swap3A_15 = vector.load %arg13[%swap3A_13, %swap3A_14] : memref<4096x256xbf16, #tpu.memory_space<vmem>>, vector<128x64xbf16>
    tpu.vector_store %arg13[%swap3A_13, %swap3A_14], %convert_element_type3A_12 {strides = array<i32>} : memref<4096x256xbf16, #tpu.memory_space<vmem>>, vector<128x64xbf16>,
    %get3A_16 = arith.constant 0 : index
    %get3A_17 = arith.constant 0 : index
    %get3A_18 = arith.constant 0 : index
    %get3A_19 = vector.load %arg3[%get3A_16, %get3A_17, %get3A_18] : memref<32x128x64xf32, #tpu.memory_space<vmem>>, vector<1x128x64xf32>
    %get3A_20 = vector.shape_cast %get3A_19 : vector<1x128x64xf32> to vector<128x64xf32>
    %convert_element_type3A_21 = arith.truncf %get3A_20 : vector<128x64xf32> to vector<128x64xbf16>
    %swap3A_22 = arith.constant 0 : index
    %swap3A_23 = arith.constant 192 : index
    %swap3A_24 = vector.load %arg13[%swap3A_22, %swap3A_23] : memref<4096x256xbf16, #tpu.memory_space<vmem>>, vector<128x64xbf16>
    tpu.vector_store %arg13[%swap3A_22, %swap3A_23], %convert_element_type3A_21 {strides = array<i32>} : memref<4096x256xbf16, #tpu.memory_space<vmem>>, vector<128x64xbf16>,
    %get3A_25 = arith.constant 1 : index
    %get3A_26 = arith.constant 0 : index
    %get3A_27 = arith.constant 0 : index
    %get3A_28 = vector.load %arg2[%get3A_25, %get3A_26, %get3A_27] : memref<32x128x64xf32, #tpu.memory_space<vmem>>, vector<1x128x64xf32>
    %get3A_29 = vector.shape_cast %get3A_28 : vector<1x128x64xf32> to vector<128x64xf32>
    %convert_element_type3A_30 = arith.truncf %get3A_29 : vector<128x64xf32> to vector<128x64xbf16>
    %swap3A_31 = arith.constant 128 : index
    %swap3A_32 = arith.constant 128 : index
    %swap3A_33 = vector.load %arg13[%swap3A_31, %swap3A_32] : memref<4096x256xbf16, #tpu.memory_space<vmem>>, vector<128x64xbf16>
    tpu.vector_store %arg13[%swap3A_31, %swap3A_32], %convert_element_type3A_30 {strides = array<i32>} : memref<4096x256xbf16, #tpu.memory_space<vmem>>, vector<128x64xbf16>,
    %get3A_34 = arith.constant 1 : index
    %get3A_35 = arith.constant 0 : index
    %get3A_36 = arith.constant 0 : index
    %get3A_37 = vector.load %arg3[%get3A_34, %get3A_35, %get3A_36] : memref<32x128x64xf32, #tpu.memory_space<vmem>>, vector<1x128x64xf32>
    %get3A_38 = vector.shape_cast %get3A_37 : vector<1x128x64xf32> to vector<128x64xf32>
    %convert_element_type3A_39 = arith.truncf %get3A_38 : vector<128x64xf32> to vector<128x64xbf16>
    %swap3A_40 = arith.constant 128 : index
    %swap3A_41 = arith.constant 192 : index
    %swap3A_42 = vector.load %arg13[%swap3A_40, %swap3A_41] : memref<4096x256xbf16, #tpu.memory_space<vmem>>, vector<128x64xbf16>
    tpu.vector_store %arg13[%swap3A_40, %swap3A_41], %convert_element_type3A_39 {strides = array<i32>} : memref<4096x256xbf16, #tpu.memory_space<vmem>>, vector<128x64xbf16>,
    %get3A_43 = arith.constant 2 : index
    %get3A_44 = arith.constant 0 : index
    %get3A_45 = arith.constant 0 : index
    %get3A_46 = vector.load %arg2[%get3A_43, %get3A_44, %get3A_45] : memref<32x128x64xf32, #tpu.memory_space<vmem>>, vector<1x128x64xf32>
    %get3A_47 = vector.shape_cast %get3A_46 : vector<1x128x64xf32> to vector<128x64xf32>
    %convert_element_type3A_48 = arith.truncf %get3A_47 : vector<128x64xf32> to vector<128x64xbf16>
    %swap3A_49 = arith.constant 256 : index
    %swap3A_50 = arith.constant 128 : index
    %swap3A_51 = vector.load %arg13[%swap3A_49, %swap3A_50] : memref<4096x256xbf16, #tpu.memory_space<vmem>>, vector<128x64xbf16>
    tpu.vector_store %arg13[%swap3A_49, %swap3A_50], %convert_element_type3A_48 {strides = array<i32>} : memref<4096x256xbf16, #tpu.memory_space<vmem>>, vector<128x64xbf16>,
    %get3A_52 = arith.constant 2 : index
    %get3A_53 = arith.constant 0 : index
    %get3A_54 = arith.constant 0 : index
    %get3A_55 = vector.load %arg3[%get3A_52, %get3A_53, %get3A_54] : memref<32x128x64xf32, #tpu.memory_space<vmem>>, vector<1x128x64xf32>
    %get3A_56 = vector.shape_cast %get3A_55 : vector<1x128x64xf32> to vector<128x64xf32>
    %convert_element_type3A_57 = arith.truncf %get3A_56 : vector<128x64xf32> to vector<128x64xbf16>
    %swap3A_58 = arith.constant 256 : index
    %swap3A_59 = arith.constant 192 : index
    %swap3A_60 = vector.load %arg13[%swap3A_58, %swap3A_59] : memref<4096x256xbf16, #tpu.memory_space<vmem>>, vector<128x64xbf16>
    tpu.vector_store %arg13[%swap3A_58, %swap3A_59], %convert_element_type3A_57 {strides = array<i32>} : memref<4096x256xbf16, #tpu.memory_space<vmem>>, vector<128x64xbf16>,
    %get3A_61 = arith.constant 3 : index
    %get3A_62 = arith.constant 0 : index
    %get3A_63 = arith.constant 0 : index
    %get3A_64 = vector.load %arg2[%get3A_61, %get3A_62, %get3A_63] : memref<32x128x64xf32, #tpu.memory_space<vmem>>, vector<1x128x64xf32>
    %get3A_65 = vector.shape_cast %get3A_64 : vector<1x128x64xf32> to vector<128x64xf32>
    %convert_element_type3A_66 = arith.truncf %get3A_65 : vector<128x64xf32> to vector<128x64xbf16>
    %swap3A_67 = arith.constant 384 : index
    %swap3A_68 = arith.constant 128 : index
    %swap3A_69 = vector.load %arg13[%swap3A_67, %swap3A_68] : memref<4096x256xbf16, #tpu.memory_space<vmem>>, vector<128x64xbf16>
    tpu.vector_store %arg13[%swap3A_67, %swap3A_68], %convert_element_type3A_66 {strides = array<i32>} : memref<4096x256xbf16, #tpu.memory_space<vmem>>, vector<128x64xbf16>,
    %get3A_70 = arith.constant 3 : index
    %get3A_71 = arith.constant 0 : index
    %get3A_72 = arith.constant 0 : index
    %get3A_73 = vector.load %arg3[%get3A_70, %get3A_71, %get3A_72] : memref<32x128x64xf32, #tpu.memory_space<vmem>>, vector<1x128x64xf32>
    %get3A_74 = vector.shape_cast %get3A_73 : vector<1x128x64xf32> to vector<128x64xf32>
    %convert_element_type3A_75 = arith.truncf %get3A_74 : vector<128x64xf32> to vector<128x64xbf16>
    %swap3A_76 = arith.constant 384 : index
    %swap3A_77 = arith.constant 192 : index
    %swap3A_78 = vector.load %arg13[%swap3A_76, %swap3A_77] : memref<4096x256xbf16, #tpu.memory_space<vmem>>, vector<128x64xbf16>
    tpu.vector_store %arg13[%swap3A_76, %swap3A_77], %convert_element_type3A_75 {strides = array<i32>} : memref<4096x256xbf16, #tpu.memory_space<vmem>>, vector<128x64xbf16>,
    %get3A_79 = arith.constant 4 : index
    %get3A_80 = arith.constant 0 : index
    %get3A_81 = arith.constant 0 : index
    %get3A_82 = vector.load %arg2[%get3A_79, %get3A_80, %get3A_81] : memref<32x128x64xf32, #tpu.memory_space<vmem>>, vector<1x128x64xf32>
    %get3A_83 = vector.shape_cast %get3A_82 : vector<1x128x64xf32> to vector<128x64xf32>
    %convert_element_type3A_84 = arith.truncf %get3A_83 : vector<128x64xf32> to vector<128x64xbf16>
    %swap3A_85 = arith.constant 512 : index
    %swap3A_86 = arith.constant 128 : index
    %swap3A_87 = vector.load %arg13[%swap3A_85, %swap3A_86] : memref<4096x256xbf16, #tpu.memory_space<vmem>>, vector<128x64xbf16>
    tpu.vector_store %arg13[%swap3A_85, %swap3A_86], %convert_element_type3A_84 {strides = array<i32>} : memref<4096x256xbf16, #tpu.memory_space<vmem>>, vector<128x64xbf16>,
    %get3A_88 = arith.constant 4 : index
    %get3A_89 = arith.constant 0 : index
    %get3A_90 = arith.constant 0 : index
    %get3A_91 = vector.load %arg3[%get3A_88, %get3A_89, %get3A_90] : memref<32x128x64xf32, #tpu.memory_space<vmem>>, vector<1x128x64xf32>
    %get3A_92 = vector.shape_cast %get3A_91 : vector<1x128x64xf32> to vector<128x64xf32>
    %convert_element_type3A_93 = arith.truncf %get3A_92 : vector<128x64xf32> to vector<128x64xbf16>
    %swap3A_94 = arith.constant 512 : index
    %swap3A_95 = arith.constant 192 : index
    %swap3A_96 = vector.load %arg13[%swap3A_94, %swap3A_95] : memref<4096x256xbf16, #tpu.memory_space<vmem>>, vector<128x64xbf16>
    tpu.vector_store %arg13[%swap3A_94, %swap3A_95], %convert_element_type3A_93 {strides = array<i32>} : memref<4096x256xbf16, #tpu.memory_space<vmem>>, vector<128x64xbf16>,
    %get3A_97 = arith.constant 5 : index
    %get3A_98 = arith.constant 0 : index
    %get3A_99 = arith.constant 0 : index
    %get3A_100 = vector.load %arg2[%get3A_97, %get3A_98, %get3A_99] : memref<32x128x64xf32, #tpu.memory_space<vmem>>, vector<1x128x64xf32>
    %get3A_101 = vector.shape_cast %get3A_100 : vector<1x128x64xf32> to vector<128x64xf32>
    %convert_element_type3A_102 = arith.truncf %get3A_101 : vector<128x64xf32> to vector<128x64xbf16>
    %swap3A_103 = arith.constant 640 : index
    %swap3A_104 = arith.constant 128 : index
    %swap3A_105 = vector.load %arg13[%swap3A_103, %swap3A_104] : memref<4096x256xbf16, #tpu.memory_space<vmem>>, vector<128x64xbf16>
    tpu.vector_store %arg13[%swap3A_103, %swap3A_104], %convert_element_type3A_102 {strides = array<i32>} : memref<4096x256xbf16, #tpu.memory_space<vmem>>, vector<128x64xbf16>,
    %get3A_106 = arith.constant 5 : index
    %get3A_107 = arith.constant 0 : index
    %get3A_108 = arith.constant 0 : index
    %get3A_109 = vector.load %arg3[%get3A_106, %get3A_107, %get3A_108] : memref<32x128x64xf32, #tpu.memory_space<vmem>>, vector<1x128x64xf32>
    %get3A_110 = vector.shape_cast %get3A_109 : vector<1x128x64xf32> to vector<128x64xf32>
    %convert_element_type3A_111 = arith.truncf %get3A_110 : vector<128x64xf32> to vector<128x64xbf16>
    %swap3A_112 = arith.constant 640 : index
    %swap3A_113 = arith.constant 192 : index
    %swap3A_114 = vector.load %arg13[%swap3A_112, %swap3A_113] : memref<4096x256xbf16, #tpu.memory_space<vmem>>, vector<128x64xbf16>
    tpu.vector_store %arg13[%swap3A_112, %swap3A_113], %convert_element_type3A_111 {strides = array<i32>} : memref<4096x256xbf16, #tpu.memory_space<vmem>>, vector<128x64xbf16>,
    %get3A_115 = arith.constant 6 : index
    %get3A_116 = arith.constant 0 : index
    %get3A_117 = arith.constant 0 : index
    %get3A_118 = vector.load %arg2[%get3A_115, %get3A_116, %get3A_117] : memref<32x128x64xf32, #tpu.memory_space<vmem>>, vector<1x128x64xf32>
    %get3A_119 = vector.shape_cast %get3A_118 : vector<1x128x64xf32> to vector<128x64xf32>
    %convert_element_type3A_120 = arith.truncf %get3A_119 : vector<128x64xf32> to vector<128x64xbf16>
    %swap3A_121 = arith.constant 768 : index
    %swap3A_122 = arith.constant 128 : index
    %swap3A_123 = vector.load %arg13[%swap3A_121, %swap3A_122] : memref<4096x256xbf16, #tpu.memory_space<vmem>>, vector<128x64xbf16>
    tpu.vector_store %arg13[%swap3A_121, %swap3A_122], %convert_element_type3A_120 {strides = array<i32>} : memref<4096x256xbf16, #tpu.memory_space<vmem>>, vector<128x64xbf16>,
    %get3A_124 = arith.constant 6 : index
    %get3A_125 = arith.constant 0 : index
    %get3A_126 = arith.constant 0 : index
    %get3A_127 = vector.load %arg3[%get3A_124, %get3A_125, %get3A_126] : memref<32x128x64xf32, #tpu.memory_space<vmem>>, vector<1x128x64xf32>
    %get3A_128 = vector.shape_cast %get3A_127 : vector<1x128x64xf32> to vector<128x64xf32>
    %convert_element_type3A_129 = arith.truncf %get3A_128 : vector<128x64xf32> to vector<128x64xbf16>
    %swap3A_130 = arith.constant 768 : index
    %swap3A_131 = arith.constant 192 : index
    %swap3A_132 = vector.load %arg13[%swap3A_130, %swap3A_131] : memref<4096x256xbf16, #tpu.memory_space<vmem>>, vector<128x64xbf16>
    tpu.vector_store %arg13[%swap3A_130, %swap3A_131], %convert_element_type3A_129 {strides = array<i32>} : memref<4096x256xbf16, #tpu.memory_space<vmem>>, vector<128x64xbf16>,
    %get3A_133 = arith.constant 7 : index
    %get3A_134 = arith.constant 0 : index
    %get3A_135 = arith.constant 0 : index
    %get3A_136 = vector.load %arg2[%get3A_133, %get3A_134, %get3A_135] : memref<32x128x64xf32, #tpu.memory_space<vmem>>, vector<1x128x64xf32>
    %get3A_137 = vector.shape_cast %get3A_136 : vector<1x128x64xf32> to vector<128x64xf32>
    %convert_element_type3A_138 = arith.truncf %get3A_137 : vector<128x64xf32> to vector<128x64xbf16>
    %swap3A_139 = arith.constant 896 : index
    %swap3A_140 = arith.constant 128 : index
    %swap3A_141 = vector.load %arg13[%swap3A_139, %swap3A_140] : memref<4096x256xbf16, #tpu.memory_space<vmem>>, vector<128x64xbf16>
    tpu.vector_store %arg13[%swap3A_139, %swap3A_140], %convert_element_type3A_138 {strides = array<i32>} : memref<4096x256xbf16, #tpu.memory_space<vmem>>, vector<128x64xbf16>,
    %get3A_142 = arith.constant 7 : index
    %get3A_143 = arith.constant 0 : index
    %get3A_144 = arith.constant 0 : index
    %get3A_145 = vector.load %arg3[%get3A_142, %get3A_143, %get3A_144] : memref<32x128x64xf32, #tpu.memory_space<vmem>>, vector<1x128x64xf32>
    %get3A_146 = vector.shape_cast %get3A_145 : vector<1x128x64xf32> to vector<128x64xf32>
    %convert_element_type3A_147 = arith.truncf %get3A_146 : vector<128x64xf32> to vector<128x64xbf16>
    %swap3A_148 = arith.constant 896 : index
    %swap3A_149 = arith.constant 192 : index
    %swap3A_150 = vector.load %arg13[%swap3A_148, %swap3A_149] : memref<4096x256xbf16, #tpu.memory_space<vmem>>, vector<128x64xbf16>
    tpu.vector_store %arg13[%swap3A_148, %swap3A_149], %convert_element_type3A_147 {strides = array<i32>} : memref<4096x256xbf16, #tpu.memory_space<vmem>>, vector<128x64xbf16>,
    %get3A_151 = arith.constant 8 : index
    %get3A_152 = arith.constant 0 : index
    %get3A_153 = arith.constant 0 : index
    %get3A_154 = vector.load %arg2[%get3A_151, %get3A_152, %get3A_153] : memref<32x128x64xf32, #tpu.memory_space<vmem>>, vector<1x128x64xf32>
    %get3A_155 = vector.shape_cast %get3A_154 : vector<1x128x64xf32> to vector<128x64xf32>
    %convert_element_type3A_156 = arith.truncf %get3A_155 : vector<128x64xf32> to vector<128x64xbf16>
    %swap3A_157 = arith.constant 1024 : index
    %swap3A_158 = arith.constant 128 : index
    %swap3A_159 = vector.load %arg13[%swap3A_157, %swap3A_158] : memref<4096x256xbf16, #tpu.memory_space<vmem>>, vector<128x64xbf16>
    tpu.vector_store %arg13[%swap3A_157, %swap3A_158], %convert_element_type3A_156 {strides = array<i32>} : memref<4096x256xbf16, #tpu.memory_space<vmem>>, vector<128x64xbf16>,
    %get3A_160 = arith.constant 8 : index
    %get3A_161 = arith.constant 0 : index
    %get3A_162 = arith.constant 0 : index
    %get3A_163 = vector.load %arg3[%get3A_160, %get3A_161, %get3A_162] : memref<32x128x64xf32, #tpu.memory_space<vmem>>, vector<1x128x64xf32>
    %get3A_164 = vector.shape_cast %get3A_163 : vector<1x128x64xf32> to vector<128x64xf32>
    %convert_element_type3A_165 = arith.truncf %get3A_164 : vector<128x64xf32> to vector<128x64xbf16>
    %swap3A_166 = arith.constant 1024 : index
    %swap3A_167 = arith.constant 192 : index
    %swap3A_168 = vector.load %arg13[%swap3A_166, %swap3A_167] : memref<4096x256xbf16, #tpu.memory_space<vmem>>, vector<128x64xbf16>
    tpu.vector_store %arg13[%swap3A_166, %swap3A_167], %convert_element_type3A_165 {strides = array<i32>} : memref<4096x256xbf16, #tpu.memory_space<vmem>>, vector<128x64xbf16>,
    %get3A_169 = arith.constant 9 : index
    %get3A_170 = arith.constant 0 : index
    %get3A_171 = arith.constant 0 : index
    %get3A_172 = vector.load %arg2[%get3A_169, %get3A_170, %get3A_171] : memref<32x128x64xf32, #tpu.memory_space<vmem>>, vector<1x128x64xf32>
    %get3A_173 = vector.shape_cast %get3A_172 : vector<1x128x64xf32> to vector<128x64xf32>
    %convert_element_type3A_174 = arith.truncf %get3A_173 : vector<128x64xf32> to vector<128x64xbf16>
    %swap3A_175 = arith.constant 1152 : index
    %swap3A_176 = arith.constant 128 : index
    %swap3A_177 = vector.load %arg13[%swap3A_175, %swap3A_176] : memref<4096x256xbf16, #tpu.memory_space<vmem>>, vector<128x64xbf16>
    tpu.vector_store %arg13[%swap3A_175, %swap3A_176], %convert_element_type3A_174 {strides = array<i32>} : memref<4096x256xbf16, #tpu.memory_space<vmem>>, vector<128x64xbf16>,
    %get3A_178 = arith.constant 9 : index
    %get3A_179 = arith.constant 0 : index
    %get3A_180 = arith.constant 0 : index
    %get3A_181 = vector.load %arg3[%get3A_178, %get3A_179, %get3A_180] : memref<32x128x64xf32, #tpu.memory_space<vmem>>, vector<1x128x64xf32>
    %get3A_182 = vector.shape_cast %get3A_181 : vector<1x128x64xf32> to vector<128x64xf32>
    %convert_element_type3A_183 = arith.truncf %get3A_182 : vector<128x64xf32> to vector<128x64xbf16>
    %swap3A_184 = arith.constant 1152 : index
    %swap3A_185 = arith.constant 192 : index
    %swap3A_186 = vector.load %arg13[%swap3A_184, %swap3A_185] : memref<4096x256xbf16, #tpu.memory_space<vmem>>, vector<128x64xbf16>
    tpu.vector_store %arg13[%swap3A_184, %swap3A_185], %convert_element_type3A_183 {strides = array<i32>} : memref<4096x256xbf16, #tpu.memory_space<vmem>>, vector<128x64xbf16>,
    %get3A_187 = arith.constant 10 : index
    %get3A_188 = arith.constant 0 : index
    %get3A_189 = arith.constant 0 : index
    %get3A_190 = vector.load %arg2[%get3A_187, %get3A_188, %get3A_189] : memref<32x128x64xf32, #tpu.memory_space<vmem>>, vector<1x128x64xf32>
    %get3A_191 = vector.shape_cast %get3A_190 : vector<1x128x64xf32> to vector<128x64xf32>
    %convert_element_type3A_192 = arith.truncf %get3A_191 : vector<128x64xf32> to vector<128x64xbf16>
    %swap3A_193 = arith.constant 1280 : index
    %swap3A_194 = arith.constant 128 : index
    %swap3A_195 = vector.load %arg13[%swap3A_193, %swap3A_194] : memref<4096x256xbf16, #tpu.memory_space<vmem>>, vector<128x64xbf16>
    tpu.vector_store %arg13[%swap3A_193, %swap3A_194], %convert_element_type3A_192 {strides = array<i32>} : memref<4096x256xbf16, #tpu.memory_space<vmem>>, vector<128x64xbf16>,
    %get3A_196 = arith.constant 10 : index
    %get3A_197 = arith.constant 0 : index
    %get3A_198 = arith.constant 0 : index
    %get3A_199 = vector.load %arg3[%get3A_196, %get3A_197, %get3A_198] : memref<32x128x64xf32, #tpu.memory_space<vmem>>, vector<1x128x64xf32>
    %get3A_200 = vector.shape_cast %get3A_199 : vector<1x128x64xf32> to vector<128x64xf32>
    %convert_element_type3A_201 = arith.truncf %get3A_200 : vector<128x64xf32> to vector<128x64xbf16>
    %swap3A_202 = arith.constant 1280 : index
    %swap3A_203 = arith.constant 192 : index
    %swap3A_204 = vector.load %arg13[%swap3A_202, %swap3A_203] : memref<4096x256xbf16, #tpu.memory_space<vmem>>, vector<128x64xbf16>
    tpu.vector_store %arg13[%swap3A_202, %swap3A_203], %convert_element_type3A_201 {strides = array<i32>} : memref<4096x256xbf16, #tpu.memory_space<vmem>>, vector<128x64xbf16>,
    %get3A_205 = arith.constant 11 : index
    %get3A_206 = arith.constant 0 : index
    %get3A_207 = arith.constant 0 : index
    %get3A_208 = vector.load %arg2[%get3A_205, %get3A_206, %get3A_207] : memref<32x128x64xf32, #tpu.memory_space<vmem>>, vector<1x128x64xf32>
    %get3A_209 = vector.shape_cast %get3A_208 : vector<1x128x64xf32> to vector<128x64xf32>
    %convert_element_type3A_210 = arith.truncf %get3A_209 : vector<128x64xf32> to vector<128x64xbf16>
    %swap3A_211 = arith.constant 1408 : index
    %swap3A_212 = arith.constant 128 : index
    %swap3A_213 = vector.load %arg13[%swap3A_211, %swap3A_212] : memref<4096x256xbf16, #tpu.memory_space<vmem>>, vector<128x64xbf16>
    tpu.vector_store %arg13[%swap3A_211, %swap3A_212], %convert_element_type3A_210 {strides = array<i32>} : memref<4096x256xbf16, #tpu.memory_space<vmem>>, vector<128x64xbf16>,
    %get3A_214 = arith.constant 11 : index
    %get3A_215 = arith.constant 0 : index
    %get3A_216 = arith.constant 0 : index
    %get3A_217 = vector.load %arg3[%get3A_214, %get3A_215, %get3A_216] : memref<32x128x64xf32, #tpu.memory_space<vmem>>, vector<1x128x64xf32>
    %get3A_218 = vector.shape_cast %get3A_217 : vector<1x128x64xf32> to vector<128x64xf32>
    %convert_element_type3A_219 = arith.truncf %get3A_218 : vector<128x64xf32> to vector<128x64xbf16>
    %swap3A_220 = arith.constant 1408 : index
    %swap3A_221 = arith.constant 192 : index
    %swap3A_222 = vector.load %arg13[%swap3A_220, %swap3A_221] : memref<4096x256xbf16, #tpu.memory_space<vmem>>, vector<128x64xbf16>
    tpu.vector_store %arg13[%swap3A_220, %swap3A_221], %convert_element_type3A_219 {strides = array<i32>} : memref<4096x256xbf16, #tpu.memory_space<vmem>>, vector<128x64xbf16>,
    %get3A_223 = arith.constant 12 : index
    %get3A_224 = arith.constant 0 : index
    %get3A_225 = arith.constant 0 : index
    %get3A_226 = vector.load %arg2[%get3A_223, %get3A_224, %get3A_225] : memref<32x128x64xf32, #tpu.memory_space<vmem>>, vector<1x128x64xf32>
    %get3A_227 = vector.shape_cast %get3A_226 : vector<1x128x64xf32> to vector<128x64xf32>
    %convert_element_type3A_228 = arith.truncf %get3A_227 : vector<128x64xf32> to vector<128x64xbf16>
    %swap3A_229 = arith.constant 1536 : index
    %swap3A_230 = arith.constant 128 : index
    %swap3A_231 = vector.load %arg13[%swap3A_229, %swap3A_230] : memref<4096x256xbf16, #tpu.memory_space<vmem>>, vector<128x64xbf16>
    tpu.vector_store %arg13[%swap3A_229, %swap3A_230], %convert_element_type3A_228 {strides = array<i32>} : memref<4096x256xbf16, #tpu.memory_space<vmem>>, vector<128x64xbf16>,
    %get3A_232 = arith.constant 12 : index
    %get3A_233 = arith.constant 0 : index
    %get3A_234 = arith.constant 0 : index
    %get3A_235 = vector.load %arg3[%get3A_232, %get3A_233, %get3A_234] : memref<32x128x64xf32, #tpu.memory_space<vmem>>, vector<1x128x64xf32>
    %get3A_236 = vector.shape_cast %get3A_235 : vector<1x128x64xf32> to vector<128x64xf32>
    %convert_element_type3A_237 = arith.truncf %get3A_236 : vector<128x64xf32> to vector<128x64xbf16>
    %swap3A_238 = arith.constant 1536 : index
    %swap3A_239 = arith.constant 192 : index
    %swap3A_240 = vector.load %arg13[%swap3A_238, %swap3A_239] : memref<4096x256xbf16, #tpu.memory_space<vmem>>, vector<128x64xbf16>
    tpu.vector_store %arg13[%swap3A_238, %swap3A_239], %convert_element_type3A_237 {strides = array<i32>} : memref<4096x256xbf16, #tpu.memory_space<vmem>>, vector<128x64xbf16>,
    %get3A_241 = arith.constant 13 : index
    %get3A_242 = arith.constant 0 : index
    %get3A_243 = arith.constant 0 : index
    %get3A_244 = vector.load %arg2[%get3A_241, %get3A_242, %get3A_243] : memref<32x128x64xf32, #tpu.memory_space<vmem>>, vector<1x128x64xf32>
    %get3A_245 = vector.shape_cast %get3A_244 : vector<1x128x64xf32> to vector<128x64xf32>
    %convert_element_type3A_246 = arith.truncf %get3A_245 : vector<128x64xf32> to vector<128x64xbf16>
    %swap3A_247 = arith.constant 1664 : index
    %swap3A_248 = arith.constant 128 : index
    %swap3A_249 = vector.load %arg13[%swap3A_247, %swap3A_248] : memref<4096x256xbf16, #tpu.memory_space<vmem>>, vector<128x64xbf16>
    tpu.vector_store %arg13[%swap3A_247, %swap3A_248], %convert_element_type3A_246 {strides = array<i32>} : memref<4096x256xbf16, #tpu.memory_space<vmem>>, vector<128x64xbf16>,
    %get3A_250 = arith.constant 13 : index
    %get3A_251 = arith.constant 0 : index
    %get3A_252 = arith.constant 0 : index
    %get3A_253 = vector.load %arg3[%get3A_250, %get3A_251, %get3A_252] : memref<32x128x64xf32, #tpu.memory_space<vmem>>, vector<1x128x64xf32>
    %get3A_254 = vector.shape_cast %get3A_253 : vector<1x128x64xf32> to vector<128x64xf32>
    %convert_element_type3A_255 = arith.truncf %get3A_254 : vector<128x64xf32> to vector<128x64xbf16>
    %swap3A_256 = arith.constant 1664 : index
    %swap3A_257 = arith.constant 192 : index
    %swap3A_258 = vector.load %arg13[%swap3A_256, %swap3A_257] : memref<4096x256xbf16, #tpu.memory_space<vmem>>, vector<128x64xbf16>
    tpu.vector_store %arg13[%swap3A_256, %swap3A_257], %convert_element_type3A_255 {strides = array<i32>} : memref<4096x256xbf16, #tpu.memory_space<vmem>>, vector<128x64xbf16>,
    %get3A_259 = arith.constant 14 : index
    %get3A_260 = arith.constant 0 : index
    %get3A_261 = arith.constant 0 : index
    %get3A_262 = vector.load %arg2[%get3A_259, %get3A_260, %get3A_261] : memref<32x128x64xf32, #tpu.memory_space<vmem>>, vector<1x128x64xf32>
    %get3A_263 = vector.shape_cast %get3A_262 : vector<1x128x64xf32> to vector<128x64xf32>
    %convert_element_type3A_264 = arith.truncf %get3A_263 : vector<128x64xf32> to vector<128x64xbf16>
    %swap3A_265 = arith.constant 1792 : index
    %swap3A_266 = arith.constant 128 : index
    %swap3A_267 = vector.load %arg13[%swap3A_265, %swap3A_266] : memref<4096x256xbf16, #tpu.memory_space<vmem>>, vector<128x64xbf16>
    tpu.vector_store %arg13[%swap3A_265, %swap3A_266], %convert_element_type3A_264 {strides = array<i32>} : memref<4096x256xbf16, #tpu.memory_space<vmem>>, vector<128x64xbf16>,
    %get3A_268 = arith.constant 14 : index
    %get3A_269 = arith.constant 0 : index
    %get3A_270 = arith.constant 0 : index
    %get3A_271 = vector.load %arg3[%get3A_268, %get3A_269, %get3A_270] : memref<32x128x64xf32, #tpu.memory_space<vmem>>, vector<1x128x64xf32>
    %get3A_272 = vector.shape_cast %get3A_271 : vector<1x128x64xf32> to vector<128x64xf32>
    %convert_element_type3A_273 = arith.truncf %get3A_272 : vector<128x64xf32> to vector<128x64xbf16>
    %swap3A_274 = arith.constant 1792 : index
    %swap3A_275 = arith.constant 192 : index
    %swap3A_276 = vector.load %arg13[%swap3A_274, %swap3A_275] : memref<4096x256xbf16, #tpu.memory_space<vmem>>, vector<128x64xbf16>
    tpu.vector_store %arg13[%swap3A_274, %swap3A_275], %convert_element_type3A_273 {strides = array<i32>} : memref<4096x256xbf16, #tpu.memory_space<vmem>>, vector<128x64xbf16>,
    %get3A_277 = arith.constant 15 : index
    %get3A_278 = arith.constant 0 : index
    %get3A_279 = arith.constant 0 : index
    %get3A_280 = vector.load %arg2[%get3A_277, %get3A_278, %get3A_279] : memref<32x128x64xf32, #tpu.memory_space<vmem>>, vector<1x128x64xf32>
    %get3A_281 = vector.shape_cast %get3A_280 : vector<1x128x64xf32> to vector<128x64xf32>
    %convert_element_type3A_282 = arith.truncf %get3A_281 : vector<128x64xf32> to vector<128x64xbf16>
    %swap3A_283 = arith.constant 1920 : index
    %swap3A_284 = arith.constant 128 : index
    %swap3A_285 = vector.load %arg13[%swap3A_283, %swap3A_284] : memref<4096x256xbf16, #tpu.memory_space<vmem>>, vector<128x64xbf16>
    tpu.vector_store %arg13[%swap3A_283, %swap3A_284], %convert_element_type3A_282 {strides = array<i32>} : memref<4096x256xbf16, #tpu.memory_space<vmem>>, vector<128x64xbf16>,
    %get3A_286 = arith.constant 15 : index
    %get3A_287 = arith.constant 0 : index
    %get3A_288 = arith.constant 0 : index
    %get3A_289 = vector.load %arg3[%get3A_286, %get3A_287, %get3A_288] : memref<32x128x64xf32, #tpu.memory_space<vmem>>, vector<1x128x64xf32>
    %get3A_290 = vector.shape_cast %get3A_289 : vector<1x128x64xf32> to vector<128x64xf32>
    %convert_element_type3A_291 = arith.truncf %get3A_290 : vector<128x64xf32> to vector<128x64xbf16>
    %swap3A_292 = arith.constant 1920 : index
    %swap3A_293 = arith.constant 192 : index
    %swap3A_294 = vector.load %arg13[%swap3A_292, %swap3A_293] : memref<4096x256xbf16, #tpu.memory_space<vmem>>, vector<128x64xbf16>
    tpu.vector_store %arg13[%swap3A_292, %swap3A_293], %convert_element_type3A_291 {strides = array<i32>} : memref<4096x256xbf16, #tpu.memory_space<vmem>>, vector<128x64xbf16>,
    %get3A_295 = arith.constant 16 : index
    %get3A_296 = arith.constant 0 : index
    %get3A_297 = arith.constant 0 : index
    %get3A_298 = vector.load %arg2[%get3A_295, %get3A_296, %get3A_297] : memref<32x128x64xf32, #tpu.memory_space<vmem>>, vector<1x128x64xf32>
    %get3A_299 = vector.shape_cast %get3A_298 : vector<1x128x64xf32> to vector<128x64xf32>
    %convert_element_type3A_300 = arith.truncf %get3A_299 : vector<128x64xf32> to vector<128x64xbf16>
    %swap3A_301 = arith.constant 2048 : index
    %swap3A_302 = arith.constant 128 : index
    %swap3A_303 = vector.load %arg13[%swap3A_301, %swap3A_302] : memref<4096x256xbf16, #tpu.memory_space<vmem>>, vector<128x64xbf16>
    tpu.vector_store %arg13[%swap3A_301, %swap3A_302], %convert_element_type3A_300 {strides = array<i32>} : memref<4096x256xbf16, #tpu.memory_space<vmem>>, vector<128x64xbf16>,
    %get3A_304 = arith.constant 16 : index
    %get3A_305 = arith.constant 0 : index
    %get3A_306 = arith.constant 0 : index
    %get3A_307 = vector.load %arg3[%get3A_304, %get3A_305, %get3A_306] : memref<32x128x64xf32, #tpu.memory_space<vmem>>, vector<1x128x64xf32>
    %get3A_308 = vector.shape_cast %get3A_307 : vector<1x128x64xf32> to vector<128x64xf32>
    %convert_element_type3A_309 = arith.truncf %get3A_308 : vector<128x64xf32> to vector<128x64xbf16>
    %swap3A_310 = arith.constant 2048 : index
    %swap3A_311 = arith.constant 192 : index
    %swap3A_312 = vector.load %arg13[%swap3A_310, %swap3A_311] : memref<4096x256xbf16, #tpu.memory_space<vmem>>, vector<128x64xbf16>
    tpu.vector_store %arg13[%swap3A_310, %swap3A_311], %convert_element_type3A_309 {strides = array<i32>} : memref<4096x256xbf16, #tpu.memory_space<vmem>>, vector<128x64xbf16>,
    %get3A_313 = arith.constant 17 : index
    %get3A_314 = arith.constant 0 : index
    %get3A_315 = arith.constant 0 : index
    %get3A_316 = vector.load %arg2[%get3A_313, %get3A_314, %get3A_315] : memref<32x128x64xf32, #tpu.memory_space<vmem>>, vector<1x128x64xf32>
    %get3A_317 = vector.shape_cast %get3A_316 : vector<1x128x64xf32> to vector<128x64xf32>
    %convert_element_type3A_318 = arith.truncf %get3A_317 : vector<128x64xf32> to vector<128x64xbf16>
    %swap3A_319 = arith.constant 2176 : index
    %swap3A_320 = arith.constant 128 : index
    %swap3A_321 = vector.load %arg13[%swap3A_319, %swap3A_320] : memref<4096x256xbf16, #tpu.memory_space<vmem>>, vector<128x64xbf16>
    tpu.vector_store %arg13[%swap3A_319, %swap3A_320], %convert_element_type3A_318 {strides = array<i32>} : memref<4096x256xbf16, #tpu.memory_space<vmem>>, vector<128x64xbf16>,
    %get3A_322 = arith.constant 17 : index
    %get3A_323 = arith.constant 0 : index
    %get3A_324 = arith.constant 0 : index
    %get3A_325 = vector.load %arg3[%get3A_322, %get3A_323, %get3A_324] : memref<32x128x64xf32, #tpu.memory_space<vmem>>, vector<1x128x64xf32>
    %get3A_326 = vector.shape_cast %get3A_325 : vector<1x128x64xf32> to vector<128x64xf32>
    %convert_element_type3A_327 = arith.truncf %get3A_326 : vector<128x64xf32> to vector<128x64xbf16>
    %swap3A_328 = arith.constant 2176 : index
    %swap3A_329 = arith.constant 192 : index
    %swap3A_330 = vector.load %arg13[%swap3A_328, %swap3A_329] : memref<4096x256xbf16, #tpu.memory_space<vmem>>, vector<128x64xbf16>
    tpu.vector_store %arg13[%swap3A_328, %swap3A_329], %convert_element_type3A_327 {strides = array<i32>} : memref<4096x256xbf16, #tpu.memory_space<vmem>>, vector<128x64xbf16>,
    %get3A_331 = arith.constant 18 : index
    %get3A_332 = arith.constant 0 : index
    %get3A_333 = arith.constant 0 : index
    %get3A_334 = vector.load %arg2[%get3A_331, %get3A_332, %get3A_333] : memref<32x128x64xf32, #tpu.memory_space<vmem>>, vector<1x128x64xf32>
    %get3A_335 = vector.shape_cast %get3A_334 : vector<1x128x64xf32> to vector<128x64xf32>
    %convert_element_type3A_336 = arith.truncf %get3A_335 : vector<128x64xf32> to vector<128x64xbf16>
    %swap3A_337 = arith.constant 2304 : index
    %swap3A_338 = arith.constant 128 : index
    %swap3A_339 = vector.load %arg13[%swap3A_337, %swap3A_338] : memref<4096x256xbf16, #tpu.memory_space<vmem>>, vector<128x64xbf16>
    tpu.vector_store %arg13[%swap3A_337, %swap3A_338], %convert_element_type3A_336 {strides = array<i32>} : memref<4096x256xbf16, #tpu.memory_space<vmem>>, vector<128x64xbf16>,
    %get3A_340 = arith.constant 18 : index
    %get3A_341 = arith.constant 0 : index
    %get3A_342 = arith.constant 0 : index
    %get3A_343 = vector.load %arg3[%get3A_340, %get3A_341, %get3A_342] : memref<32x128x64xf32, #tpu.memory_space<vmem>>, vector<1x128x64xf32>
    %get3A_344 = vector.shape_cast %get3A_343 : vector<1x128x64xf32> to vector<128x64xf32>
    %convert_element_type3A_345 = arith.truncf %get3A_344 : vector<128x64xf32> to vector<128x64xbf16>
    %swap3A_346 = arith.constant 2304 : index
    %swap3A_347 = arith.constant 192 : index
    %swap3A_348 = vector.load %arg13[%swap3A_346, %swap3A_347] : memref<4096x256xbf16, #tpu.memory_space<vmem>>, vector<128x64xbf16>
    tpu.vector_store %arg13[%swap3A_346, %swap3A_347], %convert_element_type3A_345 {strides = array<i32>} : memref<4096x256xbf16, #tpu.memory_space<vmem>>, vector<128x64xbf16>,
    %get3A_349 = arith.constant 19 : index
    %get3A_350 = arith.constant 0 : index
    %get3A_351 = arith.constant 0 : index
    %get3A_352 = vector.load %arg2[%get3A_349, %get3A_350, %get3A_351] : memref<32x128x64xf32, #tpu.memory_space<vmem>>, vector<1x128x64xf32>
    %get3A_353 = vector.shape_cast %get3A_352 : vector<1x128x64xf32> to vector<128x64xf32>
    %convert_element_type3A_354 = arith.truncf %get3A_353 : vector<128x64xf32> to vector<128x64xbf16>
    %swap3A_355 = arith.constant 2432 : index
    %swap3A_356 = arith.constant 128 : index
    %swap3A_357 = vector.load %arg13[%swap3A_355, %swap3A_356] : memref<4096x256xbf16, #tpu.memory_space<vmem>>, vector<128x64xbf16>
    tpu.vector_store %arg13[%swap3A_355, %swap3A_356], %convert_element_type3A_354 {strides = array<i32>} : memref<4096x256xbf16, #tpu.memory_space<vmem>>, vector<128x64xbf16>,
    %get3A_358 = arith.constant 19 : index
    %get3A_359 = arith.constant 0 : index
    %get3A_360 = arith.constant 0 : index
    %get3A_361 = vector.load %arg3[%get3A_358, %get3A_359, %get3A_360] : memref<32x128x64xf32, #tpu.memory_space<vmem>>, vector<1x128x64xf32>
    %get3A_362 = vector.shape_cast %get3A_361 : vector<1x128x64xf32> to vector<128x64xf32>
    %convert_element_type3A_363 = arith.truncf %get3A_362 : vector<128x64xf32> to vector<128x64xbf16>
    %swap3A_364 = arith.constant 2432 : index
    %swap3A_365 = arith.constant 192 : index
    %swap3A_366 = vector.load %arg13[%swap3A_364, %swap3A_365] : memref<4096x256xbf16, #tpu.memory_space<vmem>>, vector<128x64xbf16>
    tpu.vector_store %arg13[%swap3A_364, %swap3A_365], %convert_element_type3A_363 {strides = array<i32>} : memref<4096x256xbf16, #tpu.memory_space<vmem>>, vector<128x64xbf16>,
    %get3A_367 = arith.constant 20 : index
    %get3A_368 = arith.constant 0 : index
    %get3A_369 = arith.constant 0 : index
    %get3A_370 = vector.load %arg2[%get3A_367, %get3A_368, %get3A_369] : memref<32x128x64xf32, #tpu.memory_space<vmem>>, vector<1x128x64xf32>
    %get3A_371 = vector.shape_cast %get3A_370 : vector<1x128x64xf32> to vector<128x64xf32>
    %convert_element_type3A_372 = arith.truncf %get3A_371 : vector<128x64xf32> to vector<128x64xbf16>
    %swap3A_373 = arith.constant 2560 : index
    %swap3A_374 = arith.constant 128 : index
    %swap3A_375 = vector.load %arg13[%swap3A_373, %swap3A_374] : memref<4096x256xbf16, #tpu.memory_space<vmem>>, vector<128x64xbf16>
    tpu.vector_store %arg13[%swap3A_373, %swap3A_374], %convert_element_type3A_372 {strides = array<i32>} : memref<4096x256xbf16, #tpu.memory_space<vmem>>, vector<128x64xbf16>,
    %get3A_376 = arith.constant 20 : index
    %get3A_377 = arith.constant 0 : index
    %get3A_378 = arith.constant 0 : index
    %get3A_379 = vector.load %arg3[%get3A_376, %get3A_377, %get3A_378] : memref<32x128x64xf32, #tpu.memory_space<vmem>>, vector<1x128x64xf32>
    %get3A_380 = vector.shape_cast %get3A_379 : vector<1x128x64xf32> to vector<128x64xf32>
    %convert_element_type3A_381 = arith.truncf %get3A_380 : vector<128x64xf32> to vector<128x64xbf16>
    %swap3A_382 = arith.constant 2560 : index
    %swap3A_383 = arith.constant 192 : index
    %swap3A_384 = vector.load %arg13[%swap3A_382, %swap3A_383] : memref<4096x256xbf16, #tpu.memory_space<vmem>>, vector<128x64xbf16>
    tpu.vector_store %arg13[%swap3A_382, %swap3A_383], %convert_element_type3A_381 {strides = array<i32>} : memref<4096x256xbf16, #tpu.memory_space<vmem>>, vector<128x64xbf16>,
    %get3A_385 = arith.constant 21 : index
    %get3A_386 = arith.constant 0 : index
    %get3A_387 = arith.constant 0 : index
    %get3A_388 = vector.load %arg2[%get3A_385, %get3A_386, %get3A_387] : memref<32x128x64xf32, #tpu.memory_space<vmem>>, vector<1x128x64xf32>
    %get3A_389 = vector.shape_cast %get3A_388 : vector<1x128x64xf32> to vector<128x64xf32>
    %convert_element_type3A_390 = arith.truncf %get3A_389 : vector<128x64xf32> to vector<128x64xbf16>
    %swap3A_391 = arith.constant 2688 : index
    %swap3A_392 = arith.constant 128 : index
    %swap3A_393 = vector.load %arg13[%swap3A_391, %swap3A_392] : memref<4096x256xbf16, #tpu.memory_space<vmem>>, vector<128x64xbf16>
    tpu.vector_store %arg13[%swap3A_391, %swap3A_392], %convert_element_type3A_390 {strides = array<i32>} : memref<4096x256xbf16, #tpu.memory_space<vmem>>, vector<128x64xbf16>,
    %get3A_394 = arith.constant 21 : index
    %get3A_395 = arith.constant 0 : index
    %get3A_396 = arith.constant 0 : index
    %get3A_397 = vector.load %arg3[%get3A_394, %get3A_395, %get3A_396] : memref<32x128x64xf32, #tpu.memory_space<vmem>>, vector<1x128x64xf32>
    %get3A_398 = vector.shape_cast %get3A_397 : vector<1x128x64xf32> to vector<128x64xf32>
    %convert_element_type3A_399 = arith.truncf %get3A_398 : vector<128x64xf32> to vector<128x64xbf16>
    %swap3A_400 = arith.constant 2688 : index
    %swap3A_401 = arith.constant 192 : index
    %swap3A_402 = vector.load %arg13[%swap3A_400, %swap3A_401] : memref<4096x256xbf16, #tpu.memory_space<vmem>>, vector<128x64xbf16>
    tpu.vector_store %arg13[%swap3A_400, %swap3A_401], %convert_element_type3A_399 {strides = array<i32>} : memref<4096x256xbf16, #tpu.memory_space<vmem>>, vector<128x64xbf16>,
    %get3A_403 = arith.constant 22 : index
    %get3A_404 = arith.constant 0 : index
    %get3A_405 = arith.constant 0 : index
    %get3A_406 = vector.load %arg2[%get3A_403, %get3A_404, %get3A_405] : memref<32x128x64xf32, #tpu.memory_space<vmem>>, vector<1x128x64xf32>
    %get3A_407 = vector.shape_cast %get3A_406 : vector<1x128x64xf32> to vector<128x64xf32>
    %convert_element_type3A_408 = arith.truncf %get3A_407 : vector<128x64xf32> to vector<128x64xbf16>
    %swap3A_409 = arith.constant 2816 : index
    %swap3A_410 = arith.constant 128 : index
    %swap3A_411 = vector.load %arg13[%swap3A_409, %swap3A_410] : memref<4096x256xbf16, #tpu.memory_space<vmem>>, vector<128x64xbf16>
    tpu.vector_store %arg13[%swap3A_409, %swap3A_410], %convert_element_type3A_408 {strides = array<i32>} : memref<4096x256xbf16, #tpu.memory_space<vmem>>, vector<128x64xbf16>,
    %get3A_412 = arith.constant 22 : index
    %get3A_413 = arith.constant 0 : index
    %get3A_414 = arith.constant 0 : index
    %get3A_415 = vector.load %arg3[%get3A_412, %get3A_413, %get3A_414] : memref<32x128x64xf32, #tpu.memory_space<vmem>>, vector<1x128x64xf32>
    %get3A_416 = vector.shape_cast %get3A_415 : vector<1x128x64xf32> to vector<128x64xf32>
    %convert_element_type3A_417 = arith.truncf %get3A_416 : vector<128x64xf32> to vector<128x64xbf16>
    %swap3A_418 = arith.constant 2816 : index
    %swap3A_419 = arith.constant 192 : index
    %swap3A_420 = vector.load %arg13[%swap3A_418, %swap3A_419] : memref<4096x256xbf16, #tpu.memory_space<vmem>>, vector<128x64xbf16>
    tpu.vector_store %arg13[%swap3A_418, %swap3A_419], %convert_element_type3A_417 {strides = array<i32>} : memref<4096x256xbf16, #tpu.memory_space<vmem>>, vector<128x64xbf16>,
    %get3A_421 = arith.constant 23 : index
    %get3A_422 = arith.constant 0 : index
    %get3A_423 = arith.constant 0 : index
    %get3A_424 = vector.load %arg2[%get3A_421, %get3A_422, %get3A_423] : memref<32x128x64xf32, #tpu.memory_space<vmem>>, vector<1x128x64xf32>
    %get3A_425 = vector.shape_cast %get3A_424 : vector<1x128x64xf32> to vector<128x64xf32>
    %convert_element_type3A_426 = arith.truncf %get3A_425 : vector<128x64xf32> to vector<128x64xbf16>
    %swap3A_427 = arith.constant 2944 : index
    %swap3A_428 = arith.constant 128 : index
    %swap3A_429 = vector.load %arg13[%swap3A_427, %swap3A_428] : memref<4096x256xbf16, #tpu.memory_space<vmem>>, vector<128x64xbf16>
    tpu.vector_store %arg13[%swap3A_427, %swap3A_428], %convert_element_type3A_426 {strides = array<i32>} : memref<4096x256xbf16, #tpu.memory_space<vmem>>, vector<128x64xbf16>,
    %get3A_430 = arith.constant 23 : index
    %get3A_431 = arith.constant 0 : index
    %get3A_432 = arith.constant 0 : index
    %get3A_433 = vector.load %arg3[%get3A_430, %get3A_431, %get3A_432] : memref<32x128x64xf32, #tpu.memory_space<vmem>>, vector<1x128x64xf32>
    %get3A_434 = vector.shape_cast %get3A_433 : vector<1x128x64xf32> to vector<128x64xf32>
    %convert_element_type3A_435 = arith.truncf %get3A_434 : vector<128x64xf32> to vector<128x64xbf16>
    %swap3A_436 = arith.constant 2944 : index
    %swap3A_437 = arith.constant 192 : index
    %swap3A_438 = vector.load %arg13[%swap3A_436, %swap3A_437] : memref<4096x256xbf16, #tpu.memory_space<vmem>>, vector<128x64xbf16>
    tpu.vector_store %arg13[%swap3A_436, %swap3A_437], %convert_element_type3A_435 {strides = array<i32>} : memref<4096x256xbf16, #tpu.memory_space<vmem>>, vector<128x64xbf16>,
    %get3A_439 = arith.constant 24 : index
    %get3A_440 = arith.constant 0 : index
    %get3A_441 = arith.constant 0 : index
    %get3A_442 = vector.load %arg2[%get3A_439, %get3A_440, %get3A_441] : memref<32x128x64xf32, #tpu.memory_space<vmem>>, vector<1x128x64xf32>
    %get3A_443 = vector.shape_cast %get3A_442 : vector<1x128x64xf32> to vector<128x64xf32>
    %convert_element_type3A_444 = arith.truncf %get3A_443 : vector<128x64xf32> to vector<128x64xbf16>
    %swap3A_445 = arith.constant 3072 : index
    %swap3A_446 = arith.constant 128 : index
    %swap3A_447 = vector.load %arg13[%swap3A_445, %swap3A_446] : memref<4096x256xbf16, #tpu.memory_space<vmem>>, vector<128x64xbf16>
    tpu.vector_store %arg13[%swap3A_445, %swap3A_446], %convert_element_type3A_444 {strides = array<i32>} : memref<4096x256xbf16, #tpu.memory_space<vmem>>, vector<128x64xbf16>,
    %get3A_448 = arith.constant 24 : index
    %get3A_449 = arith.constant 0 : index
    %get3A_450 = arith.constant 0 : index
    %get3A_451 = vector.load %arg3[%get3A_448, %get3A_449, %get3A_450] : memref<32x128x64xf32, #tpu.memory_space<vmem>>, vector<1x128x64xf32>
    %get3A_452 = vector.shape_cast %get3A_451 : vector<1x128x64xf32> to vector<128x64xf32>
    %convert_element_type3A_453 = arith.truncf %get3A_452 : vector<128x64xf32> to vector<128x64xbf16>
    %swap3A_454 = arith.constant 3072 : index
    %swap3A_455 = arith.constant 192 : index
    %swap3A_456 = vector.load %arg13[%swap3A_454, %swap3A_455] : memref<4096x256xbf16, #tpu.memory_space<vmem>>, vector<128x64xbf16>
    tpu.vector_store %arg13[%swap3A_454, %swap3A_455], %convert_element_type3A_453 {strides = array<i32>} : memref<4096x256xbf16, #tpu.memory_space<vmem>>, vector<128x64xbf16>,
    %get3A_457 = arith.constant 25 : index
    %get3A_458 = arith.constant 0 : index
    %get3A_459 = arith.constant 0 : index
    %get3A_460 = vector.load %arg2[%get3A_457, %get3A_458, %get3A_459] : memref<32x128x64xf32, #tpu.memory_space<vmem>>, vector<1x128x64xf32>
    %get3A_461 = vector.shape_cast %get3A_460 : vector<1x128x64xf32> to vector<128x64xf32>
    %convert_element_type3A_462 = arith.truncf %get3A_461 : vector<128x64xf32> to vector<128x64xbf16>
    %swap3A_463 = arith.constant 3200 : index
    %swap3A_464 = arith.constant 128 : index
    %swap3A_465 = vector.load %arg13[%swap3A_463, %swap3A_464] : memref<4096x256xbf16, #tpu.memory_space<vmem>>, vector<128x64xbf16>
    tpu.vector_store %arg13[%swap3A_463, %swap3A_464], %convert_element_type3A_462 {strides = array<i32>} : memref<4096x256xbf16, #tpu.memory_space<vmem>>, vector<128x64xbf16>,
    %get3A_466 = arith.constant 25 : index
    %get3A_467 = arith.constant 0 : index
    %get3A_468 = arith.constant 0 : index
    %get3A_469 = vector.load %arg3[%get3A_466, %get3A_467, %get3A_468] : memref<32x128x64xf32, #tpu.memory_space<vmem>>, vector<1x128x64xf32>
    %get3A_470 = vector.shape_cast %get3A_469 : vector<1x128x64xf32> to vector<128x64xf32>
    %convert_element_type3A_471 = arith.truncf %get3A_470 : vector<128x64xf32> to vector<128x64xbf16>
    %swap3A_472 = arith.constant 3200 : index
    %swap3A_473 = arith.constant 192 : index
    %swap3A_474 = vector.load %arg13[%swap3A_472, %swap3A_473] : memref<4096x256xbf16, #tpu.memory_space<vmem>>, vector<128x64xbf16>
    tpu.vector_store %arg13[%swap3A_472, %swap3A_473], %convert_element_type3A_471 {strides = array<i32>} : memref<4096x256xbf16, #tpu.memory_space<vmem>>, vector<128x64xbf16>,
    %get3A_475 = arith.constant 26 : index
    %get3A_476 = arith.constant 0 : index
    %get3A_477 = arith.constant 0 : index
    %get3A_478 = vector.load %arg2[%get3A_475, %get3A_476, %get3A_477] : memref<32x128x64xf32, #tpu.memory_space<vmem>>, vector<1x128x64xf32>
    %get3A_479 = vector.shape_cast %get3A_478 : vector<1x128x64xf32> to vector<128x64xf32>
    %convert_element_type3A_480 = arith.truncf %get3A_479 : vector<128x64xf32> to vector<128x64xbf16>
    %swap3A_481 = arith.constant 3328 : index
    %swap3A_482 = arith.constant 128 : index
    %swap3A_483 = vector.load %arg13[%swap3A_481, %swap3A_482] : memref<4096x256xbf16, #tpu.memory_space<vmem>>, vector<128x64xbf16>
    tpu.vector_store %arg13[%swap3A_481, %swap3A_482], %convert_element_type3A_480 {strides = array<i32>} : memref<4096x256xbf16, #tpu.memory_space<vmem>>, vector<128x64xbf16>,
    %get3A_484 = arith.constant 26 : index
    %get3A_485 = arith.constant 0 : index
    %get3A_486 = arith.constant 0 : index
    %get3A_487 = vector.load %arg3[%get3A_484, %get3A_485, %get3A_486] : memref<32x128x64xf32, #tpu.memory_space<vmem>>, vector<1x128x64xf32>
    %get3A_488 = vector.shape_cast %get3A_487 : vector<1x128x64xf32> to vector<128x64xf32>
    %convert_element_type3A_489 = arith.truncf %get3A_488 : vector<128x64xf32> to vector<128x64xbf16>
    %swap3A_490 = arith.constant 3328 : index
    %swap3A_491 = arith.constant 192 : index
    %swap3A_492 = vector.load %arg13[%swap3A_490, %swap3A_491] : memref<4096x256xbf16, #tpu.memory_space<vmem>>, vector<128x64xbf16>
    tpu.vector_store %arg13[%swap3A_490, %swap3A_491], %convert_element_type3A_489 {strides = array<i32>} : memref<4096x256xbf16, #tpu.memory_space<vmem>>, vector<128x64xbf16>,
    %get3A_493 = arith.constant 27 : index
    %get3A_494 = arith.constant 0 : index
    %get3A_495 = arith.constant 0 : index
    %get3A_496 = vector.load %arg2[%get3A_493, %get3A_494, %get3A_495] : memref<32x128x64xf32, #tpu.memory_space<vmem>>, vector<1x128x64xf32>
    %get3A_497 = vector.shape_cast %get3A_496 : vector<1x128x64xf32> to vector<128x64xf32>
    %convert_element_type3A_498 = arith.truncf %get3A_497 : vector<128x64xf32> to vector<128x64xbf16>
    %swap3A_499 = arith.constant 3456 : index
    %swap3A_500 = arith.constant 128 : index
    %swap3A_501 = vector.load %arg13[%swap3A_499, %swap3A_500] : memref<4096x256xbf16, #tpu.memory_space<vmem>>, vector<128x64xbf16>
    tpu.vector_store %arg13[%swap3A_499, %swap3A_500], %convert_element_type3A_498 {strides = array<i32>} : memref<4096x256xbf16, #tpu.memory_space<vmem>>, vector<128x64xbf16>,
    %get3A_502 = arith.constant 27 : index
    %get3A_503 = arith.constant 0 : index
    %get3A_504 = arith.constant 0 : index
    %get3A_505 = vector.load %arg3[%get3A_502, %get3A_503, %get3A_504] : memref<32x128x64xf32, #tpu.memory_space<vmem>>, vector<1x128x64xf32>
    %get3A_506 = vector.shape_cast %get3A_505 : vector<1x128x64xf32> to vector<128x64xf32>
    %convert_element_type3A_507 = arith.truncf %get3A_506 : vector<128x64xf32> to vector<128x64xbf16>
    %swap3A_508 = arith.constant 3456 : index
    %swap3A_509 = arith.constant 192 : index
    %swap3A_510 = vector.load %arg13[%swap3A_508, %swap3A_509] : memref<4096x256xbf16, #tpu.memory_space<vmem>>, vector<128x64xbf16>
    tpu.vector_store %arg13[%swap3A_508, %swap3A_509], %convert_element_type3A_507 {strides = array<i32>} : memref<4096x256xbf16, #tpu.memory_space<vmem>>, vector<128x64xbf16>,
    %get3A_511 = arith.constant 28 : index
    %get3A_512 = arith.constant 0 : index
    %get3A_513 = arith.constant 0 : index
    %get3A_514 = vector.load %arg2[%get3A_511, %get3A_512, %get3A_513] : memref<32x128x64xf32, #tpu.memory_space<vmem>>, vector<1x128x64xf32>
    %get3A_515 = vector.shape_cast %get3A_514 : vector<1x128x64xf32> to vector<128x64xf32>
    %convert_element_type3A_516 = arith.truncf %get3A_515 : vector<128x64xf32> to vector<128x64xbf16>
    %swap3A_517 = arith.constant 3584 : index
    %swap3A_518 = arith.constant 128 : index
    %swap3A_519 = vector.load %arg13[%swap3A_517, %swap3A_518] : memref<4096x256xbf16, #tpu.memory_space<vmem>>, vector<128x64xbf16>
    tpu.vector_store %arg13[%swap3A_517, %swap3A_518], %convert_element_type3A_516 {strides = array<i32>} : memref<4096x256xbf16, #tpu.memory_space<vmem>>, vector<128x64xbf16>,
    %get3A_520 = arith.constant 28 : index
    %get3A_521 = arith.constant 0 : index
    %get3A_522 = arith.constant 0 : index
    %get3A_523 = vector.load %arg3[%get3A_520, %get3A_521, %get3A_522] : memref<32x128x64xf32, #tpu.memory_space<vmem>>, vector<1x128x64xf32>
    %get3A_524 = vector.shape_cast %get3A_523 : vector<1x128x64xf32> to vector<128x64xf32>
    %convert_element_type3A_525 = arith.truncf %get3A_524 : vector<128x64xf32> to vector<128x64xbf16>
    %swap3A_526 = arith.constant 3584 : index
    %swap3A_527 = arith.constant 192 : index
    %swap3A_528 = vector.load %arg13[%swap3A_526, %swap3A_527] : memref<4096x256xbf16, #tpu.memory_space<vmem>>, vector<128x64xbf16>
    tpu.vector_store %arg13[%swap3A_526, %swap3A_527], %convert_element_type3A_525 {strides = array<i32>} : memref<4096x256xbf16, #tpu.memory_space<vmem>>, vector<128x64xbf16>,
    %get3A_529 = arith.constant 29 : index
    %get3A_530 = arith.constant 0 : index
    %get3A_531 = arith.constant 0 : index
    %get3A_532 = vector.load %arg2[%get3A_529, %get3A_530, %get3A_531] : memref<32x128x64xf32, #tpu.memory_space<vmem>>, vector<1x128x64xf32>
    %get3A_533 = vector.shape_cast %get3A_532 : vector<1x128x64xf32> to vector<128x64xf32>
    %convert_element_type3A_534 = arith.truncf %get3A_533 : vector<128x64xf32> to vector<128x64xbf16>
    %swap3A_535 = arith.constant 3712 : index
    %swap3A_536 = arith.constant 128 : index
    %swap3A_537 = vector.load %arg13[%swap3A_535, %swap3A_536] : memref<4096x256xbf16, #tpu.memory_space<vmem>>, vector<128x64xbf16>
    tpu.vector_store %arg13[%swap3A_535, %swap3A_536], %convert_element_type3A_534 {strides = array<i32>} : memref<4096x256xbf16, #tpu.memory_space<vmem>>, vector<128x64xbf16>,
    %get3A_538 = arith.constant 29 : index
    %get3A_539 = arith.constant 0 : index
    %get3A_540 = arith.constant 0 : index
    %get3A_541 = vector.load %arg3[%get3A_538, %get3A_539, %get3A_540] : memref<32x128x64xf32, #tpu.memory_space<vmem>>, vector<1x128x64xf32>
    %get3A_542 = vector.shape_cast %get3A_541 : vector<1x128x64xf32> to vector<128x64xf32>
    %convert_element_type3A_543 = arith.truncf %get3A_542 : vector<128x64xf32> to vector<128x64xbf16>
    %swap3A_544 = arith.constant 3712 : index
    %swap3A_545 = arith.constant 192 : index
    %swap3A_546 = vector.load %arg13[%swap3A_544, %swap3A_545] : memref<4096x256xbf16, #tpu.memory_space<vmem>>, vector<128x64xbf16>
    tpu.vector_store %arg13[%swap3A_544, %swap3A_545], %convert_element_type3A_543 {strides = array<i32>} : memref<4096x256xbf16, #tpu.memory_space<vmem>>, vector<128x64xbf16>,
    %get3A_547 = arith.constant 30 : index
    %get3A_548 = arith.constant 0 : index
    %get3A_549 = arith.constant 0 : index
    %get3A_550 = vector.load %arg2[%get3A_547, %get3A_548, %get3A_549] : memref<32x128x64xf32, #tpu.memory_space<vmem>>, vector<1x128x64xf32>
    %get3A_551 = vector.shape_cast %get3A_550 : vector<1x128x64xf32> to vector<128x64xf32>
    %convert_element_type3A_552 = arith.truncf %get3A_551 : vector<128x64xf32> to vector<128x64xbf16>
    %swap3A_553 = arith.constant 3840 : index
    %swap3A_554 = arith.constant 128 : index
    %swap3A_555 = vector.load %arg13[%swap3A_553, %swap3A_554] : memref<4096x256xbf16, #tpu.memory_space<vmem>>, vector<128x64xbf16>
    tpu.vector_store %arg13[%swap3A_553, %swap3A_554], %convert_element_type3A_552 {strides = array<i32>} : memref<4096x256xbf16, #tpu.memory_space<vmem>>, vector<128x64xbf16>,
    %get3A_556 = arith.constant 30 : index
    %get3A_557 = arith.constant 0 : index
    %get3A_558 = arith.constant 0 : index
    %get3A_559 = vector.load %arg3[%get3A_556, %get3A_557, %get3A_558] : memref<32x128x64xf32, #tpu.memory_space<vmem>>, vector<1x128x64xf32>
    %get3A_560 = vector.shape_cast %get3A_559 : vector<1x128x64xf32> to vector<128x64xf32>
    %convert_element_type3A_561 = arith.truncf %get3A_560 : vector<128x64xf32> to vector<128x64xbf16>
    %swap3A_562 = arith.constant 3840 : index
    %swap3A_563 = arith.constant 192 : index
    %swap3A_564 = vector.load %arg13[%swap3A_562, %swap3A_563] : memref<4096x256xbf16, #tpu.memory_space<vmem>>, vector<128x64xbf16>
    tpu.vector_store %arg13[%swap3A_562, %swap3A_563], %convert_element_type3A_561 {strides = array<i32>} : memref<4096x256xbf16, #tpu.memory_space<vmem>>, vector<128x64xbf16>,
    %get3A_565 = arith.constant 31 : index
    %get3A_566 = arith.constant 0 : index
    %get3A_567 = arith.constant 0 : index
    %get3A_568 = vector.load %arg2[%get3A_565, %get3A_566, %get3A_567] : memref<32x128x64xf32, #tpu.memory_space<vmem>>, vector<1x128x64xf32>
    %get3A_569 = vector.shape_cast %get3A_568 : vector<1x128x64xf32> to vector<128x64xf32>
    %convert_element_type3A_570 = arith.truncf %get3A_569 : vector<128x64xf32> to vector<128x64xbf16>
    %swap3A_571 = arith.constant 3968 : index
    %swap3A_572 = arith.constant 128 : index
    %swap3A_573 = vector.load %arg13[%swap3A_571, %swap3A_572] : memref<4096x256xbf16, #tpu.memory_space<vmem>>, vector<128x64xbf16>
    tpu.vector_store %arg13[%swap3A_571, %swap3A_572], %convert_element_type3A_570 {strides = array<i32>} : memref<4096x256xbf16, #tpu.memory_space<vmem>>, vector<128x64xbf16>,
    %get3A_574 = arith.constant 31 : index
    %get3A_575 = arith.constant 0 : index
    %get3A_576 = arith.constant 0 : index
    %get3A_577 = vector.load %arg3[%get3A_574, %get3A_575, %get3A_576] : memref<32x128x64xf32, #tpu.memory_space<vmem>>, vector<1x128x64xf32>
    %get3A_578 = vector.shape_cast %get3A_577 : vector<1x128x64xf32> to vector<128x64xf32>
    %convert_element_type3A_579 = arith.truncf %get3A_578 : vector<128x64xf32> to vector<128x64xbf16>
    %swap3A_580 = arith.constant 3968 : index
    %swap3A_581 = arith.constant 192 : index
    %swap3A_582 = vector.load %arg13[%swap3A_580, %swap3A_581] : memref<4096x256xbf16, #tpu.memory_space<vmem>>, vector<128x64xbf16>
    tpu.vector_store %arg13[%swap3A_580, %swap3A_581], %convert_element_type3A_579 {strides = array<i32>} : memref<4096x256xbf16, #tpu.memory_space<vmem>>, vector<128x64xbf16>,
    %get3A_583 = arith.constant 0 : index
    %get3A_584 = arith.constant 0 : index
    %get3A_585 = vector.load %arg13[%get3A_583, %get3A_584] : memref<4096x256xbf16, #tpu.memory_space<vmem>>, vector<4096x256xbf16>
    %get3A_586 = arith.constant 0 : index
    %get3A_587 = arith.constant 0 : index
    %get3A_588 = vector.load %arg14[%get3A_586, %get3A_587] : memref<256x1280xbf16, #tpu.memory_space<vmem>>, vector<256x1280xbf16>
    %dot_general3A = arith.constant dense<0.000000e+00> : vector<4096x1280xf32>
    %dot_general3A_589 = tpu.matmul %get3A_585, %get3A_588, %dot_general3A {dimension_numbers = #tpu.dot_dimension_numbers<[1], [0], [0], [1], [0, 0, 1, 1], [], []>, transpose_lhs_hint = false} : vector<4096x256xbf16>, vector<256x1280xbf16>, vector<4096x1280xf32> -> vector<4096x1280xf32>
    %get3A_590 = arith.constant 0 : index
    %get3A_591 = arith.constant 0 : index
    %get3A_592 = vector.load %arg9[%get3A_590, %get3A_591] : memref<1x1280xf32, #tpu.memory_space<vmem>>, vector<1x1280xf32>
    %add3A = vector.broadcast %get3A_592 : vector<1x1280xf32> to vector<4096x1280xf32>
    %add3A_593 = arith.addf %dot_general3A_589, %add3A : vector<4096x1280xf32>
    %max3A = arith.constant 0.000000e+00 : f32
    %max3A_594 = vector.broadcast %max3A : f32 to vector<4096x1280xf32>
    %max3A_595 = arith.maximumf %add3A_593, %max3A_594 : vector<4096x1280xf32>
    %convert_element_type3A_596 = arith.truncf %max3A_595 : vector<4096x1280xf32> to vector<4096x1280xbf16>
    %get3A_597 = arith.constant 0 : index
    %get3A_598 = arith.constant 0 : index
    %get3A_599 = vector.load %arg15[%get3A_597, %get3A_598] : memref<1280x128xbf16, #tpu.memory_space<vmem>>, vector<1280x128xbf16>
    %dot_general3A_600 = arith.constant dense<0.000000e+00> : vector<4096x128xf32>
    %dot_general3A_601 = tpu.matmul %convert_element_type3A_596, %get3A_599, %dot_general3A_600 {dimension_numbers = #tpu.dot_dimension_numbers<[1], [0], [0], [1], [0, 0, 1, 1], [], []>, transpose_lhs_hint = false} : vector<4096x1280xbf16>, vector<1280x128xbf16>, vector<4096x128xf32> -> vector<4096x128xf32>
    %get3A_602 = arith.constant 0 : index
    %get3A_603 = arith.constant 0 : index
    %get3A_604 = vector.load %arg10[%get3A_602, %get3A_603] : memref<1x128xf32, #tpu.memory_space<vmem>>, vector<1x128xf32>
    %add3A_605 = vector.broadcast %get3A_604 : vector<1x128xf32> to vector<4096x128xf32>
    %add3A_606 = arith.addf %dot_general3A_601, %add3A_605 : vector<4096x128xf32>
    %get3A_607 = arith.constant 0 : index
    %get3A_608 = arith.constant 0 : index
    %get3A_609 = vector.load %arg4[%get3A_607, %get3A_608] : memref<4096x1xi32, #tpu.memory_space<vmem>>, vector<4096x1xi32>
    %eq3A_610 = arith.constant 0 : i32
    %eq3A_611 = vector.broadcast %eq3A_610 : i32 to vector<4096x1xi32>
    %eq3A_612 = arith.cmpi eq, %get3A_609, %eq3A_611 : vector<4096x1xi32>
    %get3A_613 = arith.constant 0 : index
    %get3A_614 = arith.constant 0 : index
    %get3A_615 = vector.load %arg1[%get3A_613, %get3A_614] : memref<4096x128xf32, #tpu.memory_space<vmem>>, vector<4096x128xf32>
    %broadcast_in_dim3A = vector.shape_cast %eq3A_612 : vector<4096x1xi1> to vector<4096x1xi1>
    %broadcast_in_dim3A_616 = vector.broadcast %broadcast_in_dim3A : vector<4096x1xi1> to vector<4096x128xi1>
    %select_n3A = arith.select %broadcast_in_dim3A_616, %add3A_606, %get3A_615 : vector<4096x128xi1>, vector<4096x128xf32>
    %slice3A = vector.extract_strided_slice %select_n3A {offsets = [0, 0], sizes = [128, 64], strides = [1, 1]} : vector<4096x128xf32> to vector<128x64xf32>
    %swap3A_617 = arith.constant 0 : index
    %swap3A_618 = arith.constant 0 : index
    %swap3A_619 = arith.constant 0 : index
    %swap3A_620 = vector.load %arg11[%swap3A_617, %swap3A_618, %swap3A_619] : memref<32x128x64xf32, #tpu.memory_space<vmem>>, vector<1x128x64xf32>
    %swap3A_621 = vector.shape_cast %swap3A_620 : vector<1x128x64xf32> to vector<128x64xf32>
    %swap3A_622 = vector.shape_cast %slice3A : vector<128x64xf32> to vector<1x128x64xf32>
    tpu.vector_store %arg11[%swap3A_617, %swap3A_618, %swap3A_619], %swap3A_622 {strides = array<i32>} : memref<32x128x64xf32, #tpu.memory_space<vmem>>, vector<1x128x64xf32>,
    %slice3A_623 = vector.extract_strided_slice %select_n3A {offsets = [0, 64], sizes = [128, 64], strides = [1, 1]} : vector<4096x128xf32> to vector<128x64xf32>
    %swap3A_624 = arith.constant 0 : index
    %swap3A_625 = arith.constant 0 : index
    %swap3A_626 = arith.constant 0 : index
    %swap3A_627 = vector.load %arg12[%swap3A_624, %swap3A_625, %swap3A_626] : memref<32x128x64xf32, #tpu.memory_space<vmem>>, vector<1x128x64xf32>
    %swap3A_628 = vector.shape_cast %swap3A_627 : vector<1x128x64xf32> to vector<128x64xf32>
    %swap3A_629 = vector.shape_cast %slice3A_623 : vector<128x64xf32> to vector<1x128x64xf32>
    tpu.vector_store %arg12[%swap3A_624, %swap3A_625, %swap3A_626], %swap3A_629 {strides = array<i32>} : memref<32x128x64xf32, #tpu.memory_space<vmem>>, vector<1x128x64xf32>,
    %slice3A_630 = vector.extract_strided_slice %select_n3A {offsets = [128, 0], sizes = [128, 64], strides = [1, 1]} : vector<4096x128xf32> to vector<128x64xf32>
    %swap3A_631 = arith.constant 1 : index
    %swap3A_632 = arith.constant 0 : index
    %swap3A_633 = arith.constant 0 : index
    %swap3A_634 = vector.load %arg11[%swap3A_631, %swap3A_632, %swap3A_633] : memref<32x128x64xf32, #tpu.memory_space<vmem>>, vector<1x128x64xf32>
    %swap3A_635 = vector.shape_cast %swap3A_634 : vector<1x128x64xf32> to vector<128x64xf32>
    %swap3A_636 = vector.shape_cast %slice3A_630 : vector<128x64xf32> to vector<1x128x64xf32>
    tpu.vector_store %arg11[%swap3A_631, %swap3A_632, %swap3A_633], %swap3A_636 {strides = array<i32>} : memref<32x128x64xf32, #tpu.memory_space<vmem>>, vector<1x128x64xf32>,
    %slice3A_637 = vector.extract_strided_slice %select_n3A {offsets = [128, 64], sizes = [128, 64], strides = [1, 1]} : vector<4096x128xf32> to vector<128x64xf32>
    %swap3A_638 = arith.constant 1 : index
    %swap3A_639 = arith.constant 0 : index
    %swap3A_640 = arith.constant 0 : index
    %swap3A_641 = vector.load %arg12[%swap3A_638, %swap3A_639, %swap3A_640] : memref<32x128x64xf32, #tpu.memory_space<vmem>>, vector<1x128x64xf32>
    %swap3A_642 = vector.shape_cast %swap3A_641 : vector<1x128x64xf32> to vector<128x64xf32>
    %swap3A_643 = vector.shape_cast %slice3A_637 : vector<128x64xf32> to vector<1x128x64xf32>
    tpu.vector_store %arg12[%swap3A_638, %swap3A_639, %swap3A_640], %swap3A_643 {strides = array<i32>} : memref<32x128x64xf32, #tpu.memory_space<vmem>>, vector<1x128x64xf32>,
    %slice3A_644 = vector.extract_strided_slice %select_n3A {offsets = [256, 0], sizes = [128, 64], strides = [1, 1]} : vector<4096x128xf32> to vector<128x64xf32>
    %swap3A_645 = arith.constant 2 : index
    %swap3A_646 = arith.constant 0 : index
    %swap3A_647 = arith.constant 0 : index
    %swap3A_648 = vector.load %arg11[%swap3A_645, %swap3A_646, %swap3A_647] : memref<32x128x64xf32, #tpu.memory_space<vmem>>, vector<1x128x64xf32>
    %swap3A_649 = vector.shape_cast %swap3A_648 : vector<1x128x64xf32> to vector<128x64xf32>
    %swap3A_650 = vector.shape_cast %slice3A_644 : vector<128x64xf32> to vector<1x128x64xf32>
    tpu.vector_store %arg11[%swap3A_645, %swap3A_646, %swap3A_647], %swap3A_650 {strides = array<i32>} : memref<32x128x64xf32, #tpu.memory_space<vmem>>, vector<1x128x64xf32>,
    %slice3A_651 = vector.extract_strided_slice %select_n3A {offsets = [256, 64], sizes = [128, 64], strides = [1, 1]} : vector<4096x128xf32> to vector<128x64xf32>
    %swap3A_652 = arith.constant 2 : index
    %swap3A_653 = arith.constant 0 : index
    %swap3A_654 = arith.constant 0 : index
    %swap3A_655 = vector.load %arg12[%swap3A_652, %swap3A_653, %swap3A_654] : memref<32x128x64xf32, #tpu.memory_space<vmem>>, vector<1x128x64xf32>
    %swap3A_656 = vector.shape_cast %swap3A_655 : vector<1x128x64xf32> to vector<128x64xf32>
    %swap3A_657 = vector.shape_cast %slice3A_651 : vector<128x64xf32> to vector<1x128x64xf32>
    tpu.vector_store %arg12[%swap3A_652, %swap3A_653, %swap3A_654], %swap3A_657 {strides = array<i32>} : memref<32x128x64xf32, #tpu.memory_space<vmem>>, vector<1x128x64xf32>,
    %slice3A_658 = vector.extract_strided_slice %select_n3A {offsets = [384, 0], sizes = [128, 64], strides = [1, 1]} : vector<4096x128xf32> to vector<128x64xf32>
    %swap3A_659 = arith.constant 3 : index
    %swap3A_660 = arith.constant 0 : index
    %swap3A_661 = arith.constant 0 : index
    %swap3A_662 = vector.load %arg11[%swap3A_659, %swap3A_660, %swap3A_661] : memref<32x128x64xf32, #tpu.memory_space<vmem>>, vector<1x128x64xf32>
    %swap3A_663 = vector.shape_cast %swap3A_662 : vector<1x128x64xf32> to vector<128x64xf32>
    %swap3A_664 = vector.shape_cast %slice3A_658 : vector<128x64xf32> to vector<1x128x64xf32>
    tpu.vector_store %arg11[%swap3A_659, %swap3A_660, %swap3A_661], %swap3A_664 {strides = array<i32>} : memref<32x128x64xf32, #tpu.memory_space<vmem>>, vector<1x128x64xf32>,
    %slice3A_665 = vector.extract_strided_slice %select_n3A {offsets = [384, 64], sizes = [128, 64], strides = [1, 1]} : vector<4096x128xf32> to vector<128x64xf32>
    %swap3A_666 = arith.constant 3 : index
    %swap3A_667 = arith.constant 0 : index
    %swap3A_668 = arith.constant 0 : index
    %swap3A_669 = vector.load %arg12[%swap3A_666, %swap3A_667, %swap3A_668] : memref<32x128x64xf32, #tpu.memory_space<vmem>>, vector<1x128x64xf32>
    %swap3A_670 = vector.shape_cast %swap3A_669 : vector<1x128x64xf32> to vector<128x64xf32>
    %swap3A_671 = vector.shape_cast %slice3A_665 : vector<128x64xf32> to vector<1x128x64xf32>
    tpu.vector_store %arg12[%swap3A_666, %swap3A_667, %swap3A_668], %swap3A_671 {strides = array<i32>} : memref<32x128x64xf32, #tpu.memory_space<vmem>>, vector<1x128x64xf32>,
    %slice3A_672 = vector.extract_strided_slice %select_n3A {offsets = [512, 0], sizes = [128, 64], strides = [1, 1]} : vector<4096x128xf32> to vector<128x64xf32>
    %swap3A_673 = arith.constant 4 : index
    %swap3A_674 = arith.constant 0 : index
    %swap3A_675 = arith.constant 0 : index
    %swap3A_676 = vector.load %arg11[%swap3A_673, %swap3A_674, %swap3A_675] : memref<32x128x64xf32, #tpu.memory_space<vmem>>, vector<1x128x64xf32>
    %swap3A_677 = vector.shape_cast %swap3A_676 : vector<1x128x64xf32> to vector<128x64xf32>
    %swap3A_678 = vector.shape_cast %slice3A_672 : vector<128x64xf32> to vector<1x128x64xf32>
    tpu.vector_store %arg11[%swap3A_673, %swap3A_674, %swap3A_675], %swap3A_678 {strides = array<i32>} : memref<32x128x64xf32, #tpu.memory_space<vmem>>, vector<1x128x64xf32>,
    %slice3A_679 = vector.extract_strided_slice %select_n3A {offsets = [512, 64], sizes = [128, 64], strides = [1, 1]} : vector<4096x128xf32> to vector<128x64xf32>
    %swap3A_680 = arith.constant 4 : index
    %swap3A_681 = arith.constant 0 : index
    %swap3A_682 = arith.constant 0 : index
    %swap3A_683 = vector.load %arg12[%swap3A_680, %swap3A_681, %swap3A_682] : memref<32x128x64xf32, #tpu.memory_space<vmem>>, vector<1x128x64xf32>
    %swap3A_684 = vector.shape_cast %swap3A_683 : vector<1x128x64xf32> to vector<128x64xf32>
    %swap3A_685 = vector.shape_cast %slice3A_679 : vector<128x64xf32> to vector<1x128x64xf32>
    tpu.vector_store %arg12[%swap3A_680, %swap3A_681, %swap3A_682], %swap3A_685 {strides = array<i32>} : memref<32x128x64xf32, #tpu.memory_space<vmem>>, vector<1x128x64xf32>,
    %slice3A_686 = vector.extract_strided_slice %select_n3A {offsets = [640, 0], sizes = [128, 64], strides = [1, 1]} : vector<4096x128xf32> to vector<128x64xf32>
    %swap3A_687 = arith.constant 5 : index
    %swap3A_688 = arith.constant 0 : index
    %swap3A_689 = arith.constant 0 : index
    %swap3A_690 = vector.load %arg11[%swap3A_687, %swap3A_688, %swap3A_689] : memref<32x128x64xf32, #tpu.memory_space<vmem>>, vector<1x128x64xf32>
    %swap3A_691 = vector.shape_cast %swap3A_690 : vector<1x128x64xf32> to vector<128x64xf32>
    %swap3A_692 = vector.shape_cast %slice3A_686 : vector<128x64xf32> to vector<1x128x64xf32>
    tpu.vector_store %arg11[%swap3A_687, %swap3A_688, %swap3A_689], %swap3A_692 {strides = array<i32>} : memref<32x128x64xf32, #tpu.memory_space<vmem>>, vector<1x128x64xf32>,
    %slice3A_693 = vector.extract_strided_slice %select_n3A {offsets = [640, 64], sizes = [128, 64], strides = [1, 1]} : vector<4096x128xf32> to vector<128x64xf32>
    %swap3A_694 = arith.constant 5 : index
    %swap3A_695 = arith.constant 0 : index
    %swap3A_696 = arith.constant 0 : index
    %swap3A_697 = vector.load %arg12[%swap3A_694, %swap3A_695, %swap3A_696] : memref<32x128x64xf32, #tpu.memory_space<vmem>>, vector<1x128x64xf32>
    %swap3A_698 = vector.shape_cast %swap3A_697 : vector<1x128x64xf32> to vector<128x64xf32>
    %swap3A_699 = vector.shape_cast %slice3A_693 : vector<128x64xf32> to vector<1x128x64xf32>
    tpu.vector_store %arg12[%swap3A_694, %swap3A_695, %swap3A_696], %swap3A_699 {strides = array<i32>} : memref<32x128x64xf32, #tpu.memory_space<vmem>>, vector<1x128x64xf32>,
    %slice3A_700 = vector.extract_strided_slice %select_n3A {offsets = [768, 0], sizes = [128, 64], strides = [1, 1]} : vector<4096x128xf32> to vector<128x64xf32>
    %swap3A_701 = arith.constant 6 : index
    %swap3A_702 = arith.constant 0 : index
    %swap3A_703 = arith.constant 0 : index
    %swap3A_704 = vector.load %arg11[%swap3A_701, %swap3A_702, %swap3A_703] : memref<32x128x64xf32, #tpu.memory_space<vmem>>, vector<1x128x64xf32>
    %swap3A_705 = vector.shape_cast %swap3A_704 : vector<1x128x64xf32> to vector<128x64xf32>
    %swap3A_706 = vector.shape_cast %slice3A_700 : vector<128x64xf32> to vector<1x128x64xf32>
    tpu.vector_store %arg11[%swap3A_701, %swap3A_702, %swap3A_703], %swap3A_706 {strides = array<i32>} : memref<32x128x64xf32, #tpu.memory_space<vmem>>, vector<1x128x64xf32>,
    %slice3A_707 = vector.extract_strided_slice %select_n3A {offsets = [768, 64], sizes = [128, 64], strides = [1, 1]} : vector<4096x128xf32> to vector<128x64xf32>
    %swap3A_708 = arith.constant 6 : index
    %swap3A_709 = arith.constant 0 : index
    %swap3A_710 = arith.constant 0 : index
    %swap3A_711 = vector.load %arg12[%swap3A_708, %swap3A_709, %swap3A_710] : memref<32x128x64xf32, #tpu.memory_space<vmem>>, vector<1x128x64xf32>
    %swap3A_712 = vector.shape_cast %swap3A_711 : vector<1x128x64xf32> to vector<128x64xf32>
    %swap3A_713 = vector.shape_cast %slice3A_707 : vector<128x64xf32> to vector<1x128x64xf32>
    tpu.vector_store %arg12[%swap3A_708, %swap3A_709, %swap3A_710], %swap3A_713 {strides = array<i32>} : memref<32x128x64xf32, #tpu.memory_space<vmem>>, vector<1x128x64xf32>,
    %slice3A_714 = vector.extract_strided_slice %select_n3A {offsets = [896, 0], sizes = [128, 64], strides = [1, 1]} : vector<4096x128xf32> to vector<128x64xf32>
    %swap3A_715 = arith.constant 7 : index
    %swap3A_716 = arith.constant 0 : index
    %swap3A_717 = arith.constant 0 : index
    %swap3A_718 = vector.load %arg11[%swap3A_715, %swap3A_716, %swap3A_717] : memref<32x128x64xf32, #tpu.memory_space<vmem>>, vector<1x128x64xf32>
    %swap3A_719 = vector.shape_cast %swap3A_718 : vector<1x128x64xf32> to vector<128x64xf32>
    %swap3A_720 = vector.shape_cast %slice3A_714 : vector<128x64xf32> to vector<1x128x64xf32>
    tpu.vector_store %arg11[%swap3A_715, %swap3A_716, %swap3A_717], %swap3A_720 {strides = array<i32>} : memref<32x128x64xf32, #tpu.memory_space<vmem>>, vector<1x128x64xf32>,
    %slice3A_721 = vector.extract_strided_slice %select_n3A {offsets = [896, 64], sizes = [128, 64], strides = [1, 1]} : vector<4096x128xf32> to vector<128x64xf32>
    %swap3A_722 = arith.constant 7 : index
    %swap3A_723 = arith.constant 0 : index
    %swap3A_724 = arith.constant 0 : index
    %swap3A_725 = vector.load %arg12[%swap3A_722, %swap3A_723, %swap3A_724] : memref<32x128x64xf32, #tpu.memory_space<vmem>>, vector<1x128x64xf32>
    %swap3A_726 = vector.shape_cast %swap3A_725 : vector<1x128x64xf32> to vector<128x64xf32>
    %swap3A_727 = vector.shape_cast %slice3A_721 : vector<128x64xf32> to vector<1x128x64xf32>
    tpu.vector_store %arg12[%swap3A_722, %swap3A_723, %swap3A_724], %swap3A_727 {strides = array<i32>} : memref<32x128x64xf32, #tpu.memory_space<vmem>>, vector<1x128x64xf32>,
    %slice3A_728 = vector.extract_strided_slice %select_n3A {offsets = [1024, 0], sizes = [128, 64], strides = [1, 1]} : vector<4096x128xf32> to vector<128x64xf32>
    %swap3A_729 = arith.constant 8 : index
    %swap3A_730 = arith.constant 0 : index
    %swap3A_731 = arith.constant 0 : index
    %swap3A_732 = vector.load %arg11[%swap3A_729, %swap3A_730, %swap3A_731] : memref<32x128x64xf32, #tpu.memory_space<vmem>>, vector<1x128x64xf32>
    %swap3A_733 = vector.shape_cast %swap3A_732 : vector<1x128x64xf32> to vector<128x64xf32>
    %swap3A_734 = vector.shape_cast %slice3A_728 : vector<128x64xf32> to vector<1x128x64xf32>
    tpu.vector_store %arg11[%swap3A_729, %swap3A_730, %swap3A_731], %swap3A_734 {strides = array<i32>} : memref<32x128x64xf32, #tpu.memory_space<vmem>>, vector<1x128x64xf32>,
    %slice3A_735 = vector.extract_strided_slice %select_n3A {offsets = [1024, 64], sizes = [128, 64], strides = [1, 1]} : vector<4096x128xf32> to vector<128x64xf32>
    %swap3A_736 = arith.constant 8 : index
    %swap3A_737 = arith.constant 0 : index
    %swap3A_738 = arith.constant 0 : index
    %swap3A_739 = vector.load %arg12[%swap3A_736, %swap3A_737, %swap3A_738] : memref<32x128x64xf32, #tpu.memory_space<vmem>>, vector<1x128x64xf32>
    %swap3A_740 = vector.shape_cast %swap3A_739 : vector<1x128x64xf32> to vector<128x64xf32>
    %swap3A_741 = vector.shape_cast %slice3A_735 : vector<128x64xf32> to vector<1x128x64xf32>
    tpu.vector_store %arg12[%swap3A_736, %swap3A_737, %swap3A_738], %swap3A_741 {strides = array<i32>} : memref<32x128x64xf32, #tpu.memory_space<vmem>>, vector<1x128x64xf32>,
    %slice3A_742 = vector.extract_strided_slice %select_n3A {offsets = [1152, 0], sizes = [128, 64], strides = [1, 1]} : vector<4096x128xf32> to vector<128x64xf32>
    %swap3A_743 = arith.constant 9 : index
    %swap3A_744 = arith.constant 0 : index
    %swap3A_745 = arith.constant 0 : index
    %swap3A_746 = vector.load %arg11[%swap3A_743, %swap3A_744, %swap3A_745] : memref<32x128x64xf32, #tpu.memory_space<vmem>>, vector<1x128x64xf32>
    %swap3A_747 = vector.shape_cast %swap3A_746 : vector<1x128x64xf32> to vector<128x64xf32>
    %swap3A_748 = vector.shape_cast %slice3A_742 : vector<128x64xf32> to vector<1x128x64xf32>
    tpu.vector_store %arg11[%swap3A_743, %swap3A_744, %swap3A_745], %swap3A_748 {strides = array<i32>} : memref<32x128x64xf32, #tpu.memory_space<vmem>>, vector<1x128x64xf32>,
    %slice3A_749 = vector.extract_strided_slice %select_n3A {offsets = [1152, 64], sizes = [128, 64], strides = [1, 1]} : vector<4096x128xf32> to vector<128x64xf32>
    %swap3A_750 = arith.constant 9 : index
    %swap3A_751 = arith.constant 0 : index
    %swap3A_752 = arith.constant 0 : index
    %swap3A_753 = vector.load %arg12[%swap3A_750, %swap3A_751, %swap3A_752] : memref<32x128x64xf32, #tpu.memory_space<vmem>>, vector<1x128x64xf32>
    %swap3A_754 = vector.shape_cast %swap3A_753 : vector<1x128x64xf32> to vector<128x64xf32>
    %swap3A_755 = vector.shape_cast %slice3A_749 : vector<128x64xf32> to vector<1x128x64xf32>
    tpu.vector_store %arg12[%swap3A_750, %swap3A_751, %swap3A_752], %swap3A_755 {strides = array<i32>} : memref<32x128x64xf32, #tpu.memory_space<vmem>>, vector<1x128x64xf32>,
    %slice3A_756 = vector.extract_strided_slice %select_n3A {offsets = [1280, 0], sizes = [128, 64], strides = [1, 1]} : vector<4096x128xf32> to vector<128x64xf32>
    %swap3A_757 = arith.constant 10 : index
    %swap3A_758 = arith.constant 0 : index
    %swap3A_759 = arith.constant 0 : index
    %swap3A_760 = vector.load %arg11[%swap3A_757, %swap3A_758, %swap3A_759] : memref<32x128x64xf32, #tpu.memory_space<vmem>>, vector<1x128x64xf32>
    %swap3A_761 = vector.shape_cast %swap3A_760 : vector<1x128x64xf32> to vector<128x64xf32>
    %swap3A_762 = vector.shape_cast %slice3A_756 : vector<128x64xf32> to vector<1x128x64xf32>
    tpu.vector_store %arg11[%swap3A_757, %swap3A_758, %swap3A_759], %swap3A_762 {strides = array<i32>} : memref<32x128x64xf32, #tpu.memory_space<vmem>>, vector<1x128x64xf32>,
    %slice3A_763 = vector.extract_strided_slice %select_n3A {offsets = [1280, 64], sizes = [128, 64], strides = [1, 1]} : vector<4096x128xf32> to vector<128x64xf32>
    %swap3A_764 = arith.constant 10 : index
    %swap3A_765 = arith.constant 0 : index
    %swap3A_766 = arith.constant 0 : index
    %swap3A_767 = vector.load %arg12[%swap3A_764, %swap3A_765, %swap3A_766] : memref<32x128x64xf32, #tpu.memory_space<vmem>>, vector<1x128x64xf32>
    %swap3A_768 = vector.shape_cast %swap3A_767 : vector<1x128x64xf32> to vector<128x64xf32>
    %swap3A_769 = vector.shape_cast %slice3A_763 : vector<128x64xf32> to vector<1x128x64xf32>
    tpu.vector_store %arg12[%swap3A_764, %swap3A_765, %swap3A_766], %swap3A_769 {strides = array<i32>} : memref<32x128x64xf32, #tpu.memory_space<vmem>>, vector<1x128x64xf32>,
    %slice3A_770 = vector.extract_strided_slice %select_n3A {offsets = [1408, 0], sizes = [128, 64], strides = [1, 1]} : vector<4096x128xf32> to vector<128x64xf32>
    %swap3A_771 = arith.constant 11 : index
    %swap3A_772 = arith.constant 0 : index
    %swap3A_773 = arith.constant 0 : index
    %swap3A_774 = vector.load %arg11[%swap3A_771, %swap3A_772, %swap3A_773] : memref<32x128x64xf32, #tpu.memory_space<vmem>>, vector<1x128x64xf32>
    %swap3A_775 = vector.shape_cast %swap3A_774 : vector<1x128x64xf32> to vector<128x64xf32>
    %swap3A_776 = vector.shape_cast %slice3A_770 : vector<128x64xf32> to vector<1x128x64xf32>
    tpu.vector_store %arg11[%swap3A_771, %swap3A_772, %swap3A_773], %swap3A_776 {strides = array<i32>} : memref<32x128x64xf32, #tpu.memory_space<vmem>>, vector<1x128x64xf32>,
    %slice3A_777 = vector.extract_strided_slice %select_n3A {offsets = [1408, 64], sizes = [128, 64], strides = [1, 1]} : vector<4096x128xf32> to vector<128x64xf32>
    %swap3A_778 = arith.constant 11 : index
    %swap3A_779 = arith.constant 0 : index
    %swap3A_780 = arith.constant 0 : index
    %swap3A_781 = vector.load %arg12[%swap3A_778, %swap3A_779, %swap3A_780] : memref<32x128x64xf32, #tpu.memory_space<vmem>>, vector<1x128x64xf32>
    %swap3A_782 = vector.shape_cast %swap3A_781 : vector<1x128x64xf32> to vector<128x64xf32>
    %swap3A_783 = vector.shape_cast %slice3A_777 : vector<128x64xf32> to vector<1x128x64xf32>
    tpu.vector_store %arg12[%swap3A_778, %swap3A_779, %swap3A_780], %swap3A_783 {strides = array<i32>} : memref<32x128x64xf32, #tpu.memory_space<vmem>>, vector<1x128x64xf32>,
    %slice3A_784 = vector.extract_strided_slice %select_n3A {offsets = [1536, 0], sizes = [128, 64], strides = [1, 1]} : vector<4096x128xf32> to vector<128x64xf32>
    %swap3A_785 = arith.constant 12 : index
    %swap3A_786 = arith.constant 0 : index
    %swap3A_787 = arith.constant 0 : index
    %swap3A_788 = vector.load %arg11[%swap3A_785, %swap3A_786, %swap3A_787] : memref<32x128x64xf32, #tpu.memory_space<vmem>>, vector<1x128x64xf32>
    %swap3A_789 = vector.shape_cast %swap3A_788 : vector<1x128x64xf32> to vector<128x64xf32>
    %swap3A_790 = vector.shape_cast %slice3A_784 : vector<128x64xf32> to vector<1x128x64xf32>
    tpu.vector_store %arg11[%swap3A_785, %swap3A_786, %swap3A_787], %swap3A_790 {strides = array<i32>} : memref<32x128x64xf32, #tpu.memory_space<vmem>>, vector<1x128x64xf32>,
    %slice3A_791 = vector.extract_strided_slice %select_n3A {offsets = [1536, 64], sizes = [128, 64], strides = [1, 1]} : vector<4096x128xf32> to vector<128x64xf32>
    %swap3A_792 = arith.constant 12 : index
    %swap3A_793 = arith.constant 0 : index
    %swap3A_794 = arith.constant 0 : index
    %swap3A_795 = vector.load %arg12[%swap3A_792, %swap3A_793, %swap3A_794] : memref<32x128x64xf32, #tpu.memory_space<vmem>>, vector<1x128x64xf32>
    %swap3A_796 = vector.shape_cast %swap3A_795 : vector<1x128x64xf32> to vector<128x64xf32>
    %swap3A_797 = vector.shape_cast %slice3A_791 : vector<128x64xf32> to vector<1x128x64xf32>
    tpu.vector_store %arg12[%swap3A_792, %swap3A_793, %swap3A_794], %swap3A_797 {strides = array<i32>} : memref<32x128x64xf32, #tpu.memory_space<vmem>>, vector<1x128x64xf32>,
    %slice3A_798 = vector.extract_strided_slice %select_n3A {offsets = [1664, 0], sizes = [128, 64], strides = [1, 1]} : vector<4096x128xf32> to vector<128x64xf32>
    %swap3A_799 = arith.constant 13 : index
    %swap3A_800 = arith.constant 0 : index
    %swap3A_801 = arith.constant 0 : index
    %swap3A_802 = vector.load %arg11[%swap3A_799, %swap3A_800, %swap3A_801] : memref<32x128x64xf32, #tpu.memory_space<vmem>>, vector<1x128x64xf32>
    %swap3A_803 = vector.shape_cast %swap3A_802 : vector<1x128x64xf32> to vector<128x64xf32>
    %swap3A_804 = vector.shape_cast %slice3A_798 : vector<128x64xf32> to vector<1x128x64xf32>
    tpu.vector_store %arg11[%swap3A_799, %swap3A_800, %swap3A_801], %swap3A_804 {strides = array<i32>} : memref<32x128x64xf32, #tpu.memory_space<vmem>>, vector<1x128x64xf32>,
    %slice3A_805 = vector.extract_strided_slice %select_n3A {offsets = [1664, 64], sizes = [128, 64], strides = [1, 1]} : vector<4096x128xf32> to vector<128x64xf32>
    %swap3A_806 = arith.constant 13 : index
    %swap3A_807 = arith.constant 0 : index
    %swap3A_808 = arith.constant 0 : index
    %swap3A_809 = vector.load %arg12[%swap3A_806, %swap3A_807, %swap3A_808] : memref<32x128x64xf32, #tpu.memory_space<vmem>>, vector<1x128x64xf32>
    %swap3A_810 = vector.shape_cast %swap3A_809 : vector<1x128x64xf32> to vector<128x64xf32>
    %swap3A_811 = vector.shape_cast %slice3A_805 : vector<128x64xf32> to vector<1x128x64xf32>
    tpu.vector_store %arg12[%swap3A_806, %swap3A_807, %swap3A_808], %swap3A_811 {strides = array<i32>} : memref<32x128x64xf32, #tpu.memory_space<vmem>>, vector<1x128x64xf32>,
    %slice3A_812 = vector.extract_strided_slice %select_n3A {offsets = [1792, 0], sizes = [128, 64], strides = [1, 1]} : vector<4096x128xf32> to vector<128x64xf32>
    %swap3A_813 = arith.constant 14 : index
    %swap3A_814 = arith.constant 0 : index
    %swap3A_815 = arith.constant 0 : index
    %swap3A_816 = vector.load %arg11[%swap3A_813, %swap3A_814, %swap3A_815] : memref<32x128x64xf32, #tpu.memory_space<vmem>>, vector<1x128x64xf32>
    %swap3A_817 = vector.shape_cast %swap3A_816 : vector<1x128x64xf32> to vector<128x64xf32>
    %swap3A_818 = vector.shape_cast %slice3A_812 : vector<128x64xf32> to vector<1x128x64xf32>
    tpu.vector_store %arg11[%swap3A_813, %swap3A_814, %swap3A_815], %swap3A_818 {strides = array<i32>} : memref<32x128x64xf32, #tpu.memory_space<vmem>>, vector<1x128x64xf32>,
    %slice3A_819 = vector.extract_strided_slice %select_n3A {offsets = [1792, 64], sizes = [128, 64], strides = [1, 1]} : vector<4096x128xf32> to vector<128x64xf32>
    %swap3A_820 = arith.constant 14 : index
    %swap3A_821 = arith.constant 0 : index
    %swap3A_822 = arith.constant 0 : index
    %swap3A_823 = vector.load %arg12[%swap3A_820, %swap3A_821, %swap3A_822] : memref<32x128x64xf32, #tpu.memory_space<vmem>>, vector<1x128x64xf32>
    %swap3A_824 = vector.shape_cast %swap3A_823 : vector<1x128x64xf32> to vector<128x64xf32>
    %swap3A_825 = vector.shape_cast %slice3A_819 : vector<128x64xf32> to vector<1x128x64xf32>
    tpu.vector_store %arg12[%swap3A_820, %swap3A_821, %swap3A_822], %swap3A_825 {strides = array<i32>} : memref<32x128x64xf32, #tpu.memory_space<vmem>>, vector<1x128x64xf32>,
    %slice3A_826 = vector.extract_strided_slice %select_n3A {offsets = [1920, 0], sizes = [128, 64], strides = [1, 1]} : vector<4096x128xf32> to vector<128x64xf32>
    %swap3A_827 = arith.constant 15 : index
    %swap3A_828 = arith.constant 0 : index
    %swap3A_829 = arith.constant 0 : index
    %swap3A_830 = vector.load %arg11[%swap3A_827, %swap3A_828, %swap3A_829] : memref<32x128x64xf32, #tpu.memory_space<vmem>>, vector<1x128x64xf32>
    %swap3A_831 = vector.shape_cast %swap3A_830 : vector<1x128x64xf32> to vector<128x64xf32>
    %swap3A_832 = vector.shape_cast %slice3A_826 : vector<128x64xf32> to vector<1x128x64xf32>
    tpu.vector_store %arg11[%swap3A_827, %swap3A_828, %swap3A_829], %swap3A_832 {strides = array<i32>} : memref<32x128x64xf32, #tpu.memory_space<vmem>>, vector<1x128x64xf32>,
    %slice3A_833 = vector.extract_strided_slice %select_n3A {offsets = [1920, 64], sizes = [128, 64], strides = [1, 1]} : vector<4096x128xf32> to vector<128x64xf32>
    %swap3A_834 = arith.constant 15 : index
    %swap3A_835 = arith.constant 0 : index
    %swap3A_836 = arith.constant 0 : index
    %swap3A_837 = vector.load %arg12[%swap3A_834, %swap3A_835, %swap3A_836] : memref<32x128x64xf32, #tpu.memory_space<vmem>>, vector<1x128x64xf32>
    %swap3A_838 = vector.shape_cast %swap3A_837 : vector<1x128x64xf32> to vector<128x64xf32>
    %swap3A_839 = vector.shape_cast %slice3A_833 : vector<128x64xf32> to vector<1x128x64xf32>
    tpu.vector_store %arg12[%swap3A_834, %swap3A_835, %swap3A_836], %swap3A_839 {strides = array<i32>} : memref<32x128x64xf32, #tpu.memory_space<vmem>>, vector<1x128x64xf32>,
    %slice3A_840 = vector.extract_strided_slice %select_n3A {offsets = [2048, 0], sizes = [128, 64], strides = [1, 1]} : vector<4096x128xf32> to vector<128x64xf32>
    %swap3A_841 = arith.constant 16 : index
    %swap3A_842 = arith.constant 0 : index
    %swap3A_843 = arith.constant 0 : index
    %swap3A_844 = vector.load %arg11[%swap3A_841, %swap3A_842, %swap3A_843] : memref<32x128x64xf32, #tpu.memory_space<vmem>>, vector<1x128x64xf32>
    %swap3A_845 = vector.shape_cast %swap3A_844 : vector<1x128x64xf32> to vector<128x64xf32>
    %swap3A_846 = vector.shape_cast %slice3A_840 : vector<128x64xf32> to vector<1x128x64xf32>
    tpu.vector_store %arg11[%swap3A_841, %swap3A_842, %swap3A_843], %swap3A_846 {strides = array<i32>} : memref<32x128x64xf32, #tpu.memory_space<vmem>>, vector<1x128x64xf32>,
    %slice3A_847 = vector.extract_strided_slice %select_n3A {offsets = [2048, 64], sizes = [128, 64], strides = [1, 1]} : vector<4096x128xf32> to vector<128x64xf32>
    %swap3A_848 = arith.constant 16 : index
    %swap3A_849 = arith.constant 0 : index
    %swap3A_850 = arith.constant 0 : index
    %swap3A_851 = vector.load %arg12[%swap3A_848, %swap3A_849, %swap3A_850] : memref<32x128x64xf32, #tpu.memory_space<vmem>>, vector<1x128x64xf32>
    %swap3A_852 = vector.shape_cast %swap3A_851 : vector<1x128x64xf32> to vector<128x64xf32>
    %swap3A_853 = vector.shape_cast %slice3A_847 : vector<128x64xf32> to vector<1x128x64xf32>
    tpu.vector_store %arg12[%swap3A_848, %swap3A_849, %swap3A_850], %swap3A_853 {strides = array<i32>} : memref<32x128x64xf32, #tpu.memory_space<vmem>>, vector<1x128x64xf32>,
    %slice3A_854 = vector.extract_strided_slice %select_n3A {offsets = [2176, 0], sizes = [128, 64], strides = [1, 1]} : vector<4096x128xf32> to vector<128x64xf32>
    %swap3A_855 = arith.constant 17 : index
    %swap3A_856 = arith.constant 0 : index
    %swap3A_857 = arith.constant 0 : index
    %swap3A_858 = vector.load %arg11[%swap3A_855, %swap3A_856, %swap3A_857] : memref<32x128x64xf32, #tpu.memory_space<vmem>>, vector<1x128x64xf32>
    %swap3A_859 = vector.shape_cast %swap3A_858 : vector<1x128x64xf32> to vector<128x64xf32>
    %swap3A_860 = vector.shape_cast %slice3A_854 : vector<128x64xf32> to vector<1x128x64xf32>
    tpu.vector_store %arg11[%swap3A_855, %swap3A_856, %swap3A_857], %swap3A_860 {strides = array<i32>} : memref<32x128x64xf32, #tpu.memory_space<vmem>>, vector<1x128x64xf32>,
    %slice3A_861 = vector.extract_strided_slice %select_n3A {offsets = [2176, 64], sizes = [128, 64], strides = [1, 1]} : vector<4096x128xf32> to vector<128x64xf32>
    %swap3A_862 = arith.constant 17 : index
    %swap3A_863 = arith.constant 0 : index
    %swap3A_864 = arith.constant 0 : index
    %swap3A_865 = vector.load %arg12[%swap3A_862, %swap3A_863, %swap3A_864] : memref<32x128x64xf32, #tpu.memory_space<vmem>>, vector<1x128x64xf32>
    %swap3A_866 = vector.shape_cast %swap3A_865 : vector<1x128x64xf32> to vector<128x64xf32>
    %swap3A_867 = vector.shape_cast %slice3A_861 : vector<128x64xf32> to vector<1x128x64xf32>
    tpu.vector_store %arg12[%swap3A_862, %swap3A_863, %swap3A_864], %swap3A_867 {strides = array<i32>} : memref<32x128x64xf32, #tpu.memory_space<vmem>>, vector<1x128x64xf32>,
    %slice3A_868 = vector.extract_strided_slice %select_n3A {offsets = [2304, 0], sizes = [128, 64], strides = [1, 1]} : vector<4096x128xf32> to vector<128x64xf32>
    %swap3A_869 = arith.constant 18 : index
    %swap3A_870 = arith.constant 0 : index
    %swap3A_871 = arith.constant 0 : index
    %swap3A_872 = vector.load %arg11[%swap3A_869, %swap3A_870, %swap3A_871] : memref<32x128x64xf32, #tpu.memory_space<vmem>>, vector<1x128x64xf32>
    %swap3A_873 = vector.shape_cast %swap3A_872 : vector<1x128x64xf32> to vector<128x64xf32>
    %swap3A_874 = vector.shape_cast %slice3A_868 : vector<128x64xf32> to vector<1x128x64xf32>
    tpu.vector_store %arg11[%swap3A_869, %swap3A_870, %swap3A_871], %swap3A_874 {strides = array<i32>} : memref<32x128x64xf32, #tpu.memory_space<vmem>>, vector<1x128x64xf32>,
    %slice3A_875 = vector.extract_strided_slice %select_n3A {offsets = [2304, 64], sizes = [128, 64], strides = [1, 1]} : vector<4096x128xf32> to vector<128x64xf32>
    %swap3A_876 = arith.constant 18 : index
    %swap3A_877 = arith.constant 0 : index
    %swap3A_878 = arith.constant 0 : index
    %swap3A_879 = vector.load %arg12[%swap3A_876, %swap3A_877, %swap3A_878] : memref<32x128x64xf32, #tpu.memory_space<vmem>>, vector<1x128x64xf32>
    %swap3A_880 = vector.shape_cast %swap3A_879 : vector<1x128x64xf32> to vector<128x64xf32>
    %swap3A_881 = vector.shape_cast %slice3A_875 : vector<128x64xf32> to vector<1x128x64xf32>
    tpu.vector_store %arg12[%swap3A_876, %swap3A_877, %swap3A_878], %swap3A_881 {strides = array<i32>} : memref<32x128x64xf32, #tpu.memory_space<vmem>>, vector<1x128x64xf32>,
    %slice3A_882 = vector.extract_strided_slice %select_n3A {offsets = [2432, 0], sizes = [128, 64], strides = [1, 1]} : vector<4096x128xf32> to vector<128x64xf32>
    %swap3A_883 = arith.constant 19 : index
    %swap3A_884 = arith.constant 0 : index
    %swap3A_885 = arith.constant 0 : index
    %swap3A_886 = vector.load %arg11[%swap3A_883, %swap3A_884, %swap3A_885] : memref<32x128x64xf32, #tpu.memory_space<vmem>>, vector<1x128x64xf32>
    %swap3A_887 = vector.shape_cast %swap3A_886 : vector<1x128x64xf32> to vector<128x64xf32>
    %swap3A_888 = vector.shape_cast %slice3A_882 : vector<128x64xf32> to vector<1x128x64xf32>
    tpu.vector_store %arg11[%swap3A_883, %swap3A_884, %swap3A_885], %swap3A_888 {strides = array<i32>} : memref<32x128x64xf32, #tpu.memory_space<vmem>>, vector<1x128x64xf32>,
    %slice3A_889 = vector.extract_strided_slice %select_n3A {offsets = [2432, 64], sizes = [128, 64], strides = [1, 1]} : vector<4096x128xf32> to vector<128x64xf32>
    %swap3A_890 = arith.constant 19 : index
    %swap3A_891 = arith.constant 0 : index
    %swap3A_892 = arith.constant 0 : index
    %swap3A_893 = vector.load %arg12[%swap3A_890, %swap3A_891, %swap3A_892] : memref<32x128x64xf32, #tpu.memory_space<vmem>>, vector<1x128x64xf32>
    %swap3A_894 = vector.shape_cast %swap3A_893 : vector<1x128x64xf32> to vector<128x64xf32>
    %swap3A_895 = vector.shape_cast %slice3A_889 : vector<128x64xf32> to vector<1x128x64xf32>
    tpu.vector_store %arg12[%swap3A_890, %swap3A_891, %swap3A_892], %swap3A_895 {strides = array<i32>} : memref<32x128x64xf32, #tpu.memory_space<vmem>>, vector<1x128x64xf32>,
    %slice3A_896 = vector.extract_strided_slice %select_n3A {offsets = [2560, 0], sizes = [128, 64], strides = [1, 1]} : vector<4096x128xf32> to vector<128x64xf32>
    %swap3A_897 = arith.constant 20 : index
    %swap3A_898 = arith.constant 0 : index
    %swap3A_899 = arith.constant 0 : index
    %swap3A_900 = vector.load %arg11[%swap3A_897, %swap3A_898, %swap3A_899] : memref<32x128x64xf32, #tpu.memory_space<vmem>>, vector<1x128x64xf32>
    %swap3A_901 = vector.shape_cast %swap3A_900 : vector<1x128x64xf32> to vector<128x64xf32>
    %swap3A_902 = vector.shape_cast %slice3A_896 : vector<128x64xf32> to vector<1x128x64xf32>
    tpu.vector_store %arg11[%swap3A_897, %swap3A_898, %swap3A_899], %swap3A_902 {strides = array<i32>} : memref<32x128x64xf32, #tpu.memory_space<vmem>>, vector<1x128x64xf32>,
    %slice3A_903 = vector.extract_strided_slice %select_n3A {offsets = [2560, 64], sizes = [128, 64], strides = [1, 1]} : vector<4096x128xf32> to vector<128x64xf32>
    %swap3A_904 = arith.constant 20 : index
    %swap3A_905 = arith.constant 0 : index
    %swap3A_906 = arith.constant 0 : index
    %swap3A_907 = vector.load %arg12[%swap3A_904, %swap3A_905, %swap3A_906] : memref<32x128x64xf32, #tpu.memory_space<vmem>>, vector<1x128x64xf32>
    %swap3A_908 = vector.shape_cast %swap3A_907 : vector<1x128x64xf32> to vector<128x64xf32>
    %swap3A_909 = vector.shape_cast %slice3A_903 : vector<128x64xf32> to vector<1x128x64xf32>
    tpu.vector_store %arg12[%swap3A_904, %swap3A_905, %swap3A_906], %swap3A_909 {strides = array<i32>} : memref<32x128x64xf32, #tpu.memory_space<vmem>>, vector<1x128x64xf32>,
    %slice3A_910 = vector.extract_strided_slice %select_n3A {offsets = [2688, 0], sizes = [128, 64], strides = [1, 1]} : vector<4096x128xf32> to vector<128x64xf32>
    %swap3A_911 = arith.constant 21 : index
    %swap3A_912 = arith.constant 0 : index
    %swap3A_913 = arith.constant 0 : index
    %swap3A_914 = vector.load %arg11[%swap3A_911, %swap3A_912, %swap3A_913] : memref<32x128x64xf32, #tpu.memory_space<vmem>>, vector<1x128x64xf32>
    %swap3A_915 = vector.shape_cast %swap3A_914 : vector<1x128x64xf32> to vector<128x64xf32>
    %swap3A_916 = vector.shape_cast %slice3A_910 : vector<128x64xf32> to vector<1x128x64xf32>
    tpu.vector_store %arg11[%swap3A_911, %swap3A_912, %swap3A_913], %swap3A_916 {strides = array<i32>} : memref<32x128x64xf32, #tpu.memory_space<vmem>>, vector<1x128x64xf32>,
    %slice3A_917 = vector.extract_strided_slice %select_n3A {offsets = [2688, 64], sizes = [128, 64], strides = [1, 1]} : vector<4096x128xf32> to vector<128x64xf32>
    %swap3A_918 = arith.constant 21 : index
    %swap3A_919 = arith.constant 0 : index
    %swap3A_920 = arith.constant 0 : index
    %swap3A_921 = vector.load %arg12[%swap3A_918, %swap3A_919, %swap3A_920] : memref<32x128x64xf32, #tpu.memory_space<vmem>>, vector<1x128x64xf32>
    %swap3A_922 = vector.shape_cast %swap3A_921 : vector<1x128x64xf32> to vector<128x64xf32>
    %swap3A_923 = vector.shape_cast %slice3A_917 : vector<128x64xf32> to vector<1x128x64xf32>
    tpu.vector_store %arg12[%swap3A_918, %swap3A_919, %swap3A_920], %swap3A_923 {strides = array<i32>} : memref<32x128x64xf32, #tpu.memory_space<vmem>>, vector<1x128x64xf32>,
    %slice3A_924 = vector.extract_strided_slice %select_n3A {offsets = [2816, 0], sizes = [128, 64], strides = [1, 1]} : vector<4096x128xf32> to vector<128x64xf32>
    %swap3A_925 = arith.constant 22 : index
    %swap3A_926 = arith.constant 0 : index
    %swap3A_927 = arith.constant 0 : index
    %swap3A_928 = vector.load %arg11[%swap3A_925, %swap3A_926, %swap3A_927] : memref<32x128x64xf32, #tpu.memory_space<vmem>>, vector<1x128x64xf32>
    %swap3A_929 = vector.shape_cast %swap3A_928 : vector<1x128x64xf32> to vector<128x64xf32>
    %swap3A_930 = vector.shape_cast %slice3A_924 : vector<128x64xf32> to vector<1x128x64xf32>
    tpu.vector_store %arg11[%swap3A_925, %swap3A_926, %swap3A_927], %swap3A_930 {strides = array<i32>} : memref<32x128x64xf32, #tpu.memory_space<vmem>>, vector<1x128x64xf32>,
    %slice3A_931 = vector.extract_strided_slice %select_n3A {offsets = [2816, 64], sizes = [128, 64], strides = [1, 1]} : vector<4096x128xf32> to vector<128x64xf32>
    %swap3A_932 = arith.constant 22 : index
    %swap3A_933 = arith.constant 0 : index
    %swap3A_934 = arith.constant 0 : index
    %swap3A_935 = vector.load %arg12[%swap3A_932, %swap3A_933, %swap3A_934] : memref<32x128x64xf32, #tpu.memory_space<vmem>>, vector<1x128x64xf32>
    %swap3A_936 = vector.shape_cast %swap3A_935 : vector<1x128x64xf32> to vector<128x64xf32>
    %swap3A_937 = vector.shape_cast %slice3A_931 : vector<128x64xf32> to vector<1x128x64xf32>
    tpu.vector_store %arg12[%swap3A_932, %swap3A_933, %swap3A_934], %swap3A_937 {strides = array<i32>} : memref<32x128x64xf32, #tpu.memory_space<vmem>>, vector<1x128x64xf32>,
    %slice3A_938 = vector.extract_strided_slice %select_n3A {offsets = [2944, 0], sizes = [128, 64], strides = [1, 1]} : vector<4096x128xf32> to vector<128x64xf32>
    %swap3A_939 = arith.constant 23 : index
    %swap3A_940 = arith.constant 0 : index
    %swap3A_941 = arith.constant 0 : index
    %swap3A_942 = vector.load %arg11[%swap3A_939, %swap3A_940, %swap3A_941] : memref<32x128x64xf32, #tpu.memory_space<vmem>>, vector<1x128x64xf32>
    %swap3A_943 = vector.shape_cast %swap3A_942 : vector<1x128x64xf32> to vector<128x64xf32>
    %swap3A_944 = vector.shape_cast %slice3A_938 : vector<128x64xf32> to vector<1x128x64xf32>
    tpu.vector_store %arg11[%swap3A_939, %swap3A_940, %swap3A_941], %swap3A_944 {strides = array<i32>} : memref<32x128x64xf32, #tpu.memory_space<vmem>>, vector<1x128x64xf32>,
    %slice3A_945 = vector.extract_strided_slice %select_n3A {offsets = [2944, 64], sizes = [128, 64], strides = [1, 1]} : vector<4096x128xf32> to vector<128x64xf32>
    %swap3A_946 = arith.constant 23 : index
    %swap3A_947 = arith.constant 0 : index
    %swap3A_948 = arith.constant 0 : index
    %swap3A_949 = vector.load %arg12[%swap3A_946, %swap3A_947, %swap3A_948] : memref<32x128x64xf32, #tpu.memory_space<vmem>>, vector<1x128x64xf32>
    %swap3A_950 = vector.shape_cast %swap3A_949 : vector<1x128x64xf32> to vector<128x64xf32>
    %swap3A_951 = vector.shape_cast %slice3A_945 : vector<128x64xf32> to vector<1x128x64xf32>
    tpu.vector_store %arg12[%swap3A_946, %swap3A_947, %swap3A_948], %swap3A_951 {strides = array<i32>} : memref<32x128x64xf32, #tpu.memory_space<vmem>>, vector<1x128x64xf32>,
    %slice3A_952 = vector.extract_strided_slice %select_n3A {offsets = [3072, 0], sizes = [128, 64], strides = [1, 1]} : vector<4096x128xf32> to vector<128x64xf32>
    %swap3A_953 = arith.constant 24 : index
    %swap3A_954 = arith.constant 0 : index
    %swap3A_955 = arith.constant 0 : index
    %swap3A_956 = vector.load %arg11[%swap3A_953, %swap3A_954, %swap3A_955] : memref<32x128x64xf32, #tpu.memory_space<vmem>>, vector<1x128x64xf32>
    %swap3A_957 = vector.shape_cast %swap3A_956 : vector<1x128x64xf32> to vector<128x64xf32>
    %swap3A_958 = vector.shape_cast %slice3A_952 : vector<128x64xf32> to vector<1x128x64xf32>
    tpu.vector_store %arg11[%swap3A_953, %swap3A_954, %swap3A_955], %swap3A_958 {strides = array<i32>} : memref<32x128x64xf32, #tpu.memory_space<vmem>>, vector<1x128x64xf32>,
    %slice3A_959 = vector.extract_strided_slice %select_n3A {offsets = [3072, 64], sizes = [128, 64], strides = [1, 1]} : vector<4096x128xf32> to vector<128x64xf32>
    %swap3A_960 = arith.constant 24 : index
    %swap3A_961 = arith.constant 0 : index
    %swap3A_962 = arith.constant 0 : index
    %swap3A_963 = vector.load %arg12[%swap3A_960, %swap3A_961, %swap3A_962] : memref<32x128x64xf32, #tpu.memory_space<vmem>>, vector<1x128x64xf32>
    %swap3A_964 = vector.shape_cast %swap3A_963 : vector<1x128x64xf32> to vector<128x64xf32>
    %swap3A_965 = vector.shape_cast %slice3A_959 : vector<128x64xf32> to vector<1x128x64xf32>
    tpu.vector_store %arg12[%swap3A_960, %swap3A_961, %swap3A_962], %swap3A_965 {strides = array<i32>} : memref<32x128x64xf32, #tpu.memory_space<vmem>>, vector<1x128x64xf32>,
    %slice3A_966 = vector.extract_strided_slice %select_n3A {offsets = [3200, 0], sizes = [128, 64], strides = [1, 1]} : vector<4096x128xf32> to vector<128x64xf32>
    %swap3A_967 = arith.constant 25 : index
    %swap3A_968 = arith.constant 0 : index
    %swap3A_969 = arith.constant 0 : index
    %swap3A_970 = vector.load %arg11[%swap3A_967, %swap3A_968, %swap3A_969] : memref<32x128x64xf32, #tpu.memory_space<vmem>>, vector<1x128x64xf32>
    %swap3A_971 = vector.shape_cast %swap3A_970 : vector<1x128x64xf32> to vector<128x64xf32>
    %swap3A_972 = vector.shape_cast %slice3A_966 : vector<128x64xf32> to vector<1x128x64xf32>
    tpu.vector_store %arg11[%swap3A_967, %swap3A_968, %swap3A_969], %swap3A_972 {strides = array<i32>} : memref<32x128x64xf32, #tpu.memory_space<vmem>>, vector<1x128x64xf32>,
    %slice3A_973 = vector.extract_strided_slice %select_n3A {offsets = [3200, 64], sizes = [128, 64], strides = [1, 1]} : vector<4096x128xf32> to vector<128x64xf32>
    %swap3A_974 = arith.constant 25 : index
    %swap3A_975 = arith.constant 0 : index
    %swap3A_976 = arith.constant 0 : index
    %swap3A_977 = vector.load %arg12[%swap3A_974, %swap3A_975, %swap3A_976] : memref<32x128x64xf32, #tpu.memory_space<vmem>>, vector<1x128x64xf32>
    %swap3A_978 = vector.shape_cast %swap3A_977 : vector<1x128x64xf32> to vector<128x64xf32>
    %swap3A_979 = vector.shape_cast %slice3A_973 : vector<128x64xf32> to vector<1x128x64xf32>
    tpu.vector_store %arg12[%swap3A_974, %swap3A_975, %swap3A_976], %swap3A_979 {strides = array<i32>} : memref<32x128x64xf32, #tpu.memory_space<vmem>>, vector<1x128x64xf32>,
    %slice3A_980 = vector.extract_strided_slice %select_n3A {offsets = [3328, 0], sizes = [128, 64], strides = [1, 1]} : vector<4096x128xf32> to vector<128x64xf32>
    %swap3A_981 = arith.constant 26 : index
    %swap3A_982 = arith.constant 0 : index
    %swap3A_983 = arith.constant 0 : index
    %swap3A_984 = vector.load %arg11[%swap3A_981, %swap3A_982, %swap3A_983] : memref<32x128x64xf32, #tpu.memory_space<vmem>>, vector<1x128x64xf32>
    %swap3A_985 = vector.shape_cast %swap3A_984 : vector<1x128x64xf32> to vector<128x64xf32>
    %swap3A_986 = vector.shape_cast %slice3A_980 : vector<128x64xf32> to vector<1x128x64xf32>
    tpu.vector_store %arg11[%swap3A_981, %swap3A_982, %swap3A_983], %swap3A_986 {strides = array<i32>} : memref<32x128x64xf32, #tpu.memory_space<vmem>>, vector<1x128x64xf32>,
    %slice3A_987 = vector.extract_strided_slice %select_n3A {offsets = [3328, 64], sizes = [128, 64], strides = [1, 1]} : vector<4096x128xf32> to vector<128x64xf32>
    %swap3A_988 = arith.constant 26 : index
    %swap3A_989 = arith.constant 0 : index
    %swap3A_990 = arith.constant 0 : index
    %swap3A_991 = vector.load %arg12[%swap3A_988, %swap3A_989, %swap3A_990] : memref<32x128x64xf32, #tpu.memory_space<vmem>>, vector<1x128x64xf32>
    %swap3A_992 = vector.shape_cast %swap3A_991 : vector<1x128x64xf32> to vector<128x64xf32>
    %swap3A_993 = vector.shape_cast %slice3A_987 : vector<128x64xf32> to vector<1x128x64xf32>
    tpu.vector_store %arg12[%swap3A_988, %swap3A_989, %swap3A_990], %swap3A_993 {strides = array<i32>} : memref<32x128x64xf32, #tpu.memory_space<vmem>>, vector<1x128x64xf32>,
    %slice3A_994 = vector.extract_strided_slice %select_n3A {offsets = [3456, 0], sizes = [128, 64], strides = [1, 1]} : vector<4096x128xf32> to vector<128x64xf32>
    %swap3A_995 = arith.constant 27 : index
    %swap3A_996 = arith.constant 0 : index
    %swap3A_997 = arith.constant 0 : index
    %swap3A_998 = vector.load %arg11[%swap3A_995, %swap3A_996, %swap3A_997] : memref<32x128x64xf32, #tpu.memory_space<vmem>>, vector<1x128x64xf32>
    %swap3A_999 = vector.shape_cast %swap3A_998 : vector<1x128x64xf32> to vector<128x64xf32>
    %swap3A_1000 = vector.shape_cast %slice3A_994 : vector<128x64xf32> to vector<1x128x64xf32>
    tpu.vector_store %arg11[%swap3A_995, %swap3A_996, %swap3A_997], %swap3A_1000 {strides = array<i32>} : memref<32x128x64xf32, #tpu.memory_space<vmem>>, vector<1x128x64xf32>,
    %slice3A_1001 = vector.extract_strided_slice %select_n3A {offsets = [3456, 64], sizes = [128, 64], strides = [1, 1]} : vector<4096x128xf32> to vector<128x64xf32>
    %swap3A_1002 = arith.constant 27 : index
    %swap3A_1003 = arith.constant 0 : index
    %swap3A_1004 = arith.constant 0 : index
    %swap3A_1005 = vector.load %arg12[%swap3A_1002, %swap3A_1003, %swap3A_1004] : memref<32x128x64xf32, #tpu.memory_space<vmem>>, vector<1x128x64xf32>
    %swap3A_1006 = vector.shape_cast %swap3A_1005 : vector<1x128x64xf32> to vector<128x64xf32>
    %swap3A_1007 = vector.shape_cast %slice3A_1001 : vector<128x64xf32> to vector<1x128x64xf32>
    tpu.vector_store %arg12[%swap3A_1002, %swap3A_1003, %swap3A_1004], %swap3A_1007 {strides = array<i32>} : memref<32x128x64xf32, #tpu.memory_space<vmem>>, vector<1x128x64xf32>,
    %slice3A_1008 = vector.extract_strided_slice %select_n3A {offsets = [3584, 0], sizes = [128, 64], strides = [1, 1]} : vector<4096x128xf32> to vector<128x64xf32>
    %swap3A_1009 = arith.constant 28 : index
    %swap3A_1010 = arith.constant 0 : index
    %swap3A_1011 = arith.constant 0 : index
    %swap3A_1012 = vector.load %arg11[%swap3A_1009, %swap3A_1010, %swap3A_1011] : memref<32x128x64xf32, #tpu.memory_space<vmem>>, vector<1x128x64xf32>
    %swap3A_1013 = vector.shape_cast %swap3A_1012 : vector<1x128x64xf32> to vector<128x64xf32>
    %swap3A_1014 = vector.shape_cast %slice3A_1008 : vector<128x64xf32> to vector<1x128x64xf32>
    tpu.vector_store %arg11[%swap3A_1009, %swap3A_1010, %swap3A_1011], %swap3A_1014 {strides = array<i32>} : memref<32x128x64xf32, #tpu.memory_space<vmem>>, vector<1x128x64xf32>,
    %slice3A_1015 = vector.extract_strided_slice %select_n3A {offsets = [3584, 64], sizes = [128, 64], strides = [1, 1]} : vector<4096x128xf32> to vector<128x64xf32>
    %swap3A_1016 = arith.constant 28 : index
    %swap3A_1017 = arith.constant 0 : index
    %swap3A_1018 = arith.constant 0 : index
    %swap3A_1019 = vector.load %arg12[%swap3A_1016, %swap3A_1017, %swap3A_1018] : memref<32x128x64xf32, #tpu.memory_space<vmem>>, vector<1x128x64xf32>
    %swap3A_1020 = vector.shape_cast %swap3A_1019 : vector<1x128x64xf32> to vector<128x64xf32>
    %swap3A_1021 = vector.shape_cast %slice3A_1015 : vector<128x64xf32> to vector<1x128x64xf32>
    tpu.vector_store %arg12[%swap3A_1016, %swap3A_1017, %swap3A_1018], %swap3A_1021 {strides = array<i32>} : memref<32x128x64xf32, #tpu.memory_space<vmem>>, vector<1x128x64xf32>,
    %slice3A_1022 = vector.extract_strided_slice %select_n3A {offsets = [3712, 0], sizes = [128, 64], strides = [1, 1]} : vector<4096x128xf32> to vector<128x64xf32>
    %swap3A_1023 = arith.constant 29 : index
    %swap3A_1024 = arith.constant 0 : index
    %swap3A_1025 = arith.constant 0 : index
    %swap3A_1026 = vector.load %arg11[%swap3A_1023, %swap3A_1024, %swap3A_1025] : memref<32x128x64xf32, #tpu.memory_space<vmem>>, vector<1x128x64xf32>
    %swap3A_1027 = vector.shape_cast %swap3A_1026 : vector<1x128x64xf32> to vector<128x64xf32>
    %swap3A_1028 = vector.shape_cast %slice3A_1022 : vector<128x64xf32> to vector<1x128x64xf32>
    tpu.vector_store %arg11[%swap3A_1023, %swap3A_1024, %swap3A_1025], %swap3A_1028 {strides = array<i32>} : memref<32x128x64xf32, #tpu.memory_space<vmem>>, vector<1x128x64xf32>,
    %slice3A_1029 = vector.extract_strided_slice %select_n3A {offsets = [3712, 64], sizes = [128, 64], strides = [1, 1]} : vector<4096x128xf32> to vector<128x64xf32>
    %swap3A_1030 = arith.constant 29 : index
    %swap3A_1031 = arith.constant 0 : index
    %swap3A_1032 = arith.constant 0 : index
    %swap3A_1033 = vector.load %arg12[%swap3A_1030, %swap3A_1031, %swap3A_1032] : memref<32x128x64xf32, #tpu.memory_space<vmem>>, vector<1x128x64xf32>
    %swap3A_1034 = vector.shape_cast %swap3A_1033 : vector<1x128x64xf32> to vector<128x64xf32>
    %swap3A_1035 = vector.shape_cast %slice3A_1029 : vector<128x64xf32> to vector<1x128x64xf32>
    tpu.vector_store %arg12[%swap3A_1030, %swap3A_1031, %swap3A_1032], %swap3A_1035 {strides = array<i32>} : memref<32x128x64xf32, #tpu.memory_space<vmem>>, vector<1x128x64xf32>,
    %slice3A_1036 = vector.extract_strided_slice %select_n3A {offsets = [3840, 0], sizes = [128, 64], strides = [1, 1]} : vector<4096x128xf32> to vector<128x64xf32>
    %swap3A_1037 = arith.constant 30 : index
    %swap3A_1038 = arith.constant 0 : index
    %swap3A_1039 = arith.constant 0 : index
    %swap3A_1040 = vector.load %arg11[%swap3A_1037, %swap3A_1038, %swap3A_1039] : memref<32x128x64xf32, #tpu.memory_space<vmem>>, vector<1x128x64xf32>
    %swap3A_1041 = vector.shape_cast %swap3A_1040 : vector<1x128x64xf32> to vector<128x64xf32>
    %swap3A_1042 = vector.shape_cast %slice3A_1036 : vector<128x64xf32> to vector<1x128x64xf32>
    tpu.vector_store %arg11[%swap3A_1037, %swap3A_1038, %swap3A_1039], %swap3A_1042 {strides = array<i32>} : memref<32x128x64xf32, #tpu.memory_space<vmem>>, vector<1x128x64xf32>,
    %slice3A_1043 = vector.extract_strided_slice %select_n3A {offsets = [3840, 64], sizes = [128, 64], strides = [1, 1]} : vector<4096x128xf32> to vector<128x64xf32>
    %swap3A_1044 = arith.constant 30 : index
    %swap3A_1045 = arith.constant 0 : index
    %swap3A_1046 = arith.constant 0 : index
    %swap3A_1047 = vector.load %arg12[%swap3A_1044, %swap3A_1045, %swap3A_1046] : memref<32x128x64xf32, #tpu.memory_space<vmem>>, vector<1x128x64xf32>
    %swap3A_1048 = vector.shape_cast %swap3A_1047 : vector<1x128x64xf32> to vector<128x64xf32>
    %swap3A_1049 = vector.shape_cast %slice3A_1043 : vector<128x64xf32> to vector<1x128x64xf32>
    tpu.vector_store %arg12[%swap3A_1044, %swap3A_1045, %swap3A_1046], %swap3A_1049 {strides = array<i32>} : memref<32x128x64xf32, #tpu.memory_space<vmem>>, vector<1x128x64xf32>,
    %slice3A_1050 = vector.extract_strided_slice %select_n3A {offsets = [3968, 0], sizes = [128, 64], strides = [1, 1]} : vector<4096x128xf32> to vector<128x64xf32>
    %swap3A_1051 = arith.constant 31 : index
    %swap3A_1052 = arith.constant 0 : index
    %swap3A_1053 = arith.constant 0 : index
    %swap3A_1054 = vector.load %arg11[%swap3A_1051, %swap3A_1052, %swap3A_1053] : memref<32x128x64xf32, #tpu.memory_space<vmem>>, vector<1x128x64xf32>
    %swap3A_1055 = vector.shape_cast %swap3A_1054 : vector<1x128x64xf32> to vector<128x64xf32>
    %swap3A_1056 = vector.shape_cast %slice3A_1050 : vector<128x64xf32> to vector<1x128x64xf32>
    tpu.vector_store %arg11[%swap3A_1051, %swap3A_1052, %swap3A_1053], %swap3A_1056 {strides = array<i32>} : memref<32x128x64xf32, #tpu.memory_space<vmem>>, vector<1x128x64xf32>,
    %slice3A_1057 = vector.extract_strided_slice %select_n3A {offsets = [3968, 64], sizes = [128, 64], strides = [1, 1]} : vector<4096x128xf32> to vector<128x64xf32>
    %swap3A_1058 = arith.constant 31 : index
    %swap3A_1059 = arith.constant 0 : index
    %swap3A_1060 = arith.constant 0 : index
    %swap3A_1061 = vector.load %arg12[%swap3A_1058, %swap3A_1059, %swap3A_1060] : memref<32x128x64xf32, #tpu.memory_space<vmem>>, vector<1x128x64xf32>
    %swap3A_1062 = vector.shape_cast %swap3A_1061 : vector<1x128x64xf32> to vector<128x64xf32>
    %swap3A_1063 = vector.shape_cast %slice3A_1057 : vector<128x64xf32> to vector<1x128x64xf32>
    tpu.vector_store %arg12[%swap3A_1058, %swap3A_1059, %swap3A_1060], %swap3A_1063 {strides = array<i32>} : memref<32x128x64xf32, #tpu.memory_space<vmem>>, vector<1x128x64xf32>,
    return
  }
  func.func @transform_0(%arg0: i32) -> (i32, i32) {
    %c0_i32 = arith.constant 0 : i32
    %c0_i32_0 = arith.constant 0 : i32
    return %arg0, %c0_i32 : i32, i32
  }
  func.func @transform_1(%arg0: i32) -> (i32, i32, i32) {
    %c0_i32 = arith.constant 0 : i32
    %c0_i32_0 = arith.constant 0 : i32
    %c0_i32_1 = arith.constant 0 : i32
    return %arg0, %c0_i32, %c0_i32_0 : i32, i32, i32
  }
  func.func @transform_2(%arg0: i32) -> (i32, i32, i32) {
    %c0_i32 = arith.constant 0 : i32
    %c0_i32_0 = arith.constant 0 : i32
    %c0_i32_1 = arith.constant 0 : i32
    return %arg0, %c0_i32, %c0_i32_0 : i32, i32, i32
  }
  func.func @transform_3(%arg0: i32) -> (i32, i32) {
    %c0_i32 = arith.constant 0 : i32
    %c0_i32_0 = arith.constant 0 : i32
    return %arg0, %c0_i32 : i32, i32
  }
  func.func @transform_4(%arg0: i32) -> (i32, i32) {
    %c0_i32 = arith.constant 0 : i32
    %c0_i32_0 = arith.constant 0 : i32
    %c0_i32_1 = arith.constant 0 : i32
    return %c0_i32, %c0_i32_0 : i32, i32
  }
  func.func @transform_5(%arg0: i32) -> (i32, i32) {
    %c0_i32 = arith.constant 0 : i32
    %c0_i32_0 = arith.constant 0 : i32
    %c0_i32_1 = arith.constant 0 : i32
    return %c0_i32, %c0_i32_0 : i32, i32
  }
  func.func @transform_6(%arg0: i32) -> (i32, i32) {
    %c0_i32 = arith.constant 0 : i32
    %c0_i32_0 = arith.constant 0 : i32
    %c0_i32_1 = arith.constant 0 : i32
    return %c0_i32, %c0_i32_0 : i32, i32
  }
  func.func @transform_7(%arg0: i32) -> (i32, i32) {
    %c0_i32 = arith.constant 0 : i32
    %c0_i32_0 = arith.constant 0 : i32
    %c0_i32_1 = arith.constant 0 : i32
    return %c0_i32, %c0_i32_0 : i32, i32
  }
  func.func @transform_8(%arg0: i32) -> (i32, i32) {
    %c0_i32 = arith.constant 0 : i32
    %c0_i32_0 = arith.constant 0 : i32
    %c0_i32_1 = arith.constant 0 : i32
    return %c0_i32, %c0_i32_0 : i32, i32
  }
  func.func @transform_9(%arg0: i32) -> (i32, i32) {
    %c0_i32 = arith.constant 0 : i32
    %c0_i32_0 = arith.constant 0 : i32
    %c0_i32_1 = arith.constant 0 : i32
    return %c0_i32, %c0_i32_0 : i32, i32
  }
  func.func @transform_10(%arg0: i32) -> (i32, i32, i32) {
    %c0_i32 = arith.constant 0 : i32
    %c0_i32_0 = arith.constant 0 : i32
    %c0_i32_1 = arith.constant 0 : i32
    return %arg0, %c0_i32, %c0_i32_0 : i32, i32, i32
  }
  func.func @transform_11(%arg0: i32) -> (i32, i32, i32) {
    %c0_i32 = arith.constant 0 : i32
    %c0_i32_0 = arith.constant 0 : i32
    %c0_i32_1 = arith.constant 0 : i32
    return %arg0, %c0_i32, %c0_i32_0 : i32, i32, i32
  }
}

</mosaic_0001>

<sc_bundles>
// kernel: kernel.4.cloned.1.call-start
scs
__scs_entry_jumppad:
0x0: {  	(pc) =	sbr.rel $0x88, $3  }
0x1: {  	(tag) =	ssettag $0x0;
	lr =	simm.s32 $0x1  }
0x2: {  	[smem:$0x3F94] =	sst lr;
	_ =	strace $0xD0000000  }
0x3: {  	_ = 	snop  }
0x4: {  	_ = 	snop  }
0x5: {  	_ = 	snop  }
0x6: {  	_ = 	snop  }
0x7: {  	_ = 	snop  }
__scs_overlays_trampoline_lowered:
0x8: {  	[smem:$0x3FA3] =	sst s0  }
0x9: {  	[smem:$0x3FA4] =	sst s1  }
0xa: {  	[smem:$0x3FA5] =	sst s2  }
0xb: {  	[smem:$0x3FA6] =	sst s3  }
0xc: {  	[smem:$0x3FA7] =	sst s4  }
0xd: {  	[smem:$0x3FA8] =	sst s5  }
0xe: {  	[smem:$0x3FA9] =	sst s6  }
0xf: {  	[smem:$0x3FAA] =	sst s7  }
0x10: {  	[smem:$0x3FAB] =	sst s8  }
0x11: {  	[smem:$0x3FAC] =	sst s9;
	s0 =	simm.s32 @!p0 $0x0  }
0x12: {  	s1 =	sld [smem:$0x3F92];
	s0 =	simm.s32 @p0 $0x1  }
0x13: {  	[smem:$0x3FAD] =	sst s0;
	s0 =	simm.s32 @!p1 $0x0  }
0x14: {  	s2 =	sld [smem:$0x3F91];
	s0 =	simm.s32 @p1 $0x1  }
0x15: {  	[smem:$0x3FAE] =	sst s0;
	s0 =	simm.s32 @!p2 $0x0  }
0x16: {  	s3 =	sld [smem:$0x3FDB];
	s0 =	simm.s32 @p2 $0x1  }
0x17: {  	s4 =	simm.s32 $0x1BF5;
	[smem:$0x3FB0] =	sst s0  }
0x18: {  	s0 =	sld [smem:$0x3F93];
	_ =	swait.ge [sflag:s4], $0x0  }
0x19: {  	s7 =	sld [smem:$0x3F94]  }
0x1a: {  	s8 =	sadd.s32 $0xFFFFE003, lr  }
0x1b: {  	s9 =	sadd.s32 $0xFFFFFEF7, lr;
	s5 =	simm.s32 $0xFFFFFFFF;
	p2 =	slt.u32 s8, $0xFFFFF086  }
0x1c: {  	p1 =	slt.u32 s9, $0xF7A;
	s5 =	simm.s32 @!p2 $0x0  }
0x1d: {  	s5 =	simm.s32 @p1 $0x1;
	p0 =	seq.s32 s7, s2  }
0x1e: {  	s7 =	smul.u32 @!p0 $0xF7A, s2;
	p2 =	seq.s32 @!p0 s5, $0x0  }
0x1f: {  	s9 =	smul.u32 $0xF7A, s1;
	s8 =	simm.s32 @!p0 $0x1BF5;
	p2 =	por !p2, p0  }
0x20: {  	[sflag:s8] =	ssyncset.s32 @!p0 $0xFFFFF086;
	s6 =	sadd.s32 @!p0 s3, s7;
	s7 =	simm.s32 @!p0 $0x108  }
0x21: {  	s3 =	sadd.s32 s3, s9;
	s6 =	sadd.s32 @!p0 $0x88, s6;
	s7 =	simm.s32 @p2 $0x1082  }
0x22: {  	[simem:s7], [sflag:s8] =	dma.local @!p0 [hbm:s6], $0xF7A  }
0x23: {  	s9 =	sor.u32 $0xD0000000, s2;
	s6 =	simm.s32 $0x108;
	_ =	swait.ge @!p0 [sflag:s8], $0x0  }
0x24: {  	s3 =	sadd.s32 $0x88, s3;
	s6 =	simm.s32 @!p1 $0x1082;
	[sflag:s4] =	ssyncset.s32 $0xFFFFF086  }
0x25: {  	[simem:s6], [sflag:s4] =	dma.local [hbm:s3], $0xF7A  }
0x26: {  	[smem:$0x3F94] =	sst s1;
	(tag) =	ssettag s2;
	_ =	strace s9  }
0x27: {  	s1 =	sld [smem:$0x3FA4]  }
0x28: {  	s2 =	sld [smem:$0x3FA5]  }
0x29: {  	s4 =	sld [smem:$0x3FA7]  }
0x2a: {  	p0 =	seq.s32 s5, $0x0;
	s5 =	sld [smem:$0x3FA8]  }
0x2b: {  	s6 =	sld [smem:$0x3FA9]  }
0x2c: {  	s7 =	sld [smem:$0x3FAA]  }
0x2d: {  	s3 =	simm.s32 $0x108;
	s8 =	sld [smem:$0x3FAB]  }
0x2e: {  	s3 =	simm.s32 @!p0 $0x1082;
	s9 =	sld [smem:$0x3FAC]  }
0x2f: {  	lr =	sadd.s32 s0, s3;
	s0 =	sld [smem:$0x3FA3]  }
0x30: {  	s3 =	sld [smem:$0x3FA6]  }
0x31: {  	[smem:$0x3FAF] =	sst s10  }
0x32: {  	s10 =	sld [smem:$0x3FAD];
	_ =	sdelay $0x3  }
0x33: {  	p0 =	seq.s32 s10, $0x1;
	s10 =	sld [smem:$0x3FAF];
	_ =	sdelay $0x3  }
0x34: {  	[smem:$0x3FAF] =	sst s10  }
0x35: {  	s10 =	sld [smem:$0x3FAE];
	_ =	sdelay $0x3  }
0x36: {  	p1 =	seq.s32 s10, $0x1;
	s10 =	sld [smem:$0x3FAF];
	_ =	sdelay $0x3  }
0x37: {  	[smem:$0x3FAF] =	sst s10  }
0x38: {  	s10 =	sld [smem:$0x3FB0]  }
0x39: {  	_ = 	snop;
	(pc) =	sbr.ind lr, $3  }
0x3a: {  	_ = 	snop  }
0x3b: {  	_ = 	snop  }
0x3c: {  	p2 =	seq.s32 s10, $0x1;
	s10 =	sld [smem:$0x3FAF]  }
0x3d: {  	_ =	shalt  }
0x3e: {  	_ =	shalt  }
0x3f: {  	_ =	shalt  }
0x40: {  	_ =	shalt  }
0x41: {  	_ =	shalt  }
0x42: {  	_ =	shalt  }
0x43: {  	_ =	shalt  }
0x44: {  	_ =	shalt  }
0x45: {  	_ =	shalt  }
0x46: {  	_ =	shalt  }
0x47: {  	_ =	shalt  }
0x48: {  	_ =	shalt  }
0x49: {  	_ =	shalt  }
0x4a: {  	_ =	shalt  }
0x4b: {  	_ =	shalt  }
0x4c: {  	_ =	shalt  }
0x4d: {  	_ =	shalt  }
0x4e: {  	_ =	shalt  }
0x4f: {  	_ =	shalt  }
0x50: {  	_ =	shalt  }
0x51: {  	_ =	shalt  }
0x52: {  	_ =	shalt  }
0x53: {  	_ =	shalt  }
0x54: {  	_ =	shalt  }
0x55: {  	_ =	shalt  }
0x56: {  	_ =	shalt  }
0x57: {  	_ =	shalt  }
0x58: {  	_ =	shalt  }
0x59: {  	_ =	shalt  }
0x5a: {  	_ =	shalt  }
0x5b: {  	_ =	shalt  }
0x5c: {  	_ =	shalt  }
0x5d: {  	_ =	shalt  }
0x5e: {  	_ =	shalt  }
0x5f: {  	_ =	shalt  }
0x60: {  	_ =	shalt  }
0x61: {  	_ =	shalt  }
0x62: {  	_ =	shalt  }
0x63: {  	_ =	shalt  }
0x64: {  	_ =	shalt  }
0x65: {  	_ =	shalt  }
0x66: {  	_ =	shalt  }
0x67: {  	_ =	shalt  }
0x68: {  	_ =	shalt  }
0x69: {  	_ =	shalt  }
0x6a: {  	_ =	shalt  }
0x6b: {  	_ =	shalt  }
0x6c: {  	_ =	shalt  }
0x6d: {  	_ =	shalt  }
0x6e: {  	_ =	shalt  }
0x6f: {  	_ =	shalt  }
0x70: {  	_ =	shalt  }
0x71: {  	_ =	shalt  }
0x72: {  	_ =	shalt  }
0x73: {  	_ =	shalt  }
0x74: {  	_ =	shalt  }
0x75: {  	_ =	shalt  }
0x76: {  	_ =	shalt  }
0x77: {  	_ =	shalt  }
0x78: {  	_ =	shalt  }
0x79: {  	_ =	shalt  }
0x7a: {  	_ =	shalt  }
0x7b: {  	_ =	shalt  }
0x7c: {  	_ =	shalt  }
0x7d: {  	_ =	shalt  }
0x7e: {  	_ =	shalt  }
0x7f: {  	_ =	shalt  }
0x80: {  	_ =	shalt  }
0x81: {  	_ =	shalt  }
0x82: {  	_ =	shalt  }
0x83: {  	_ =	shalt  }
0x84: {  	_ =	shalt  }
0x85: {  	_ =	shalt  }
0x86: {  	_ =	shalt  }
0x87: {  	_ =	shalt  }
.Lfunc_end0:
.L_simem_size_0:
called_computation_lowered:
.L_overlay_start_0:
0x88: {  	s2 =	sld [smem:$0x3FD9]  }
0x89: {  	s3 =	sld [smem:$0x3FFE];
	_ =	sdelay $0x1  }
0x8a: {  	s1 =	srdreg.scid  }
0x8b: {  	s0 =	sand.u32 $0x1, s1  }
0x8c: {  	s14 =	sshll.u32 s0, $0xA;
	s2 =	sadd.s32 s3, s2  }
0x8d: {  	s2 =	sadd.s32 s2, s14  }
0x8e: {  	[smem:$0x3FBB] =	sst s2  }
0x8f: {  	_ = 	snop  }
0x90: {  	s2 =	sld [smem:$0x3FD0]  }
0x91: {  	s15 =	sld [smem:$0x3FC9]  }
0x92: {  	s4 =	sld [smem:$0x3FC8]  }
0x93: {  	s6 =	simm.s32 $0xA;
	s7 =	simm.s32 $0x10;
	s5 =	sld [smem:$0x3FC5]  }
0x94: {  	[smem:s7], [sflag:s6] =	dma.local [hbm:s2], $0x1  }
0x95: {  	_ =	swait.eq [sflag:s6], $0x1  }
0x96: {  	[sflag:s6] =	ssyncset.done $0x0  }
0x97: {  	[sflag:s6] =	ssyncadd.s32 $0xFFFFFFFF  }
0x98: {  	s16 =	sld [smem:$0x11];
	(tm) =	ssettm $0x1  }
0x99: {  	s17 =	sld [smem:$0x3FFB];
	_ =	sdelay $0x3  }
0x9a: {  	_ =	strace s17  }
0x9b: {  	s6 =	sld [smem:$0x3FFC];
	_ =	sdelay $0x3  }
0x9c: {  	_ =	strace s6  }
0x9d: {  	s6 =	sld [smem:$0x3FFD];
	_ =	sdelay $0x3  }
0x9e: {  	_ =	strace s6  }
0x9f: {  	_ =	strace $0x8FFFFFFF  }
0xa0: {  	s18 =	sld [smem:$0x3FDB];
	_ =	sdelay $0x1  }
0xa1: {  	s19 =	simm.s32 $_scs_section_size  }
0xa2: {  	s8 =	simm.s32 $_size__tile_overlayer_lowered;
	s9 =	simm.s32 $_tile_overlayer_lowered  }
0xa3: {  	s22 =	simm.s32 $0x1BFF;
	s21 =	sshll.u32 s9, $0x1;
	s6 =	sadd.s32 s19, s18  }
0xa4: {  	s10 =	simm.s32 $0x0;
	s20 =	sshll.u32 s8, $0x1;
	s8 =	sadd.s32 s21, s6  }
0xa5: {  	[timem:s10], [sflag:s22] =	dma.local [hbm:s8], s20  }
0xa6: {  	_ =	swait.ge [sflag:s22], s20  }
0xa7: {  	s7 =	ssub.s32 $0x0, s20;
	[sflag:s22] =	ssyncset.done $0x0  }
0xa8: {  	[sflag:s22] =	ssyncadd.s32 s7;
	_ =	sdelay $0x1  }
0xa9: {  	s23 =	simm.s32 $0x1B8B  }
0xaa: {  	_ =	swait.ge [sflag:s23], $0x1  }
0xab: {  	[sflag:s23] =	ssyncset.done $0x0  }
0xac: {  	s25 =	simm.s32 $0x1B8E;
	s24 =	sld [smem:$0x3FFE];
	[sflag:s23] =	ssyncadd.s32 $0xFFFFFFFF  }
0xad: {  	s26 =	simm.s32 $execute0_lowered;
	[smem:$0x3FD2] =	sst s25  }
0xae: {  	s8 =	sshll.u32 s26, $0x1;
	_ =	strace $0x80000046;
	[dreg:$0x1] =	wrdreg $0xFFFFFFFF  }
0xaf: {  	s28 =	simm.s32 $_size_execute0_lowered;
	s6 =	sadd.s32 s6, s8;
	[dreg:$0x0] =	wrdreg $0x0  }
0xb0: {  	s8 =	sshll.u32 s28, $0x1;
	[dreg:$0x2] =	wrdreg s6  }
0xb1: {  	[dreg:$0x3] =	wrdreg s8  }
0xb2: {  	[dreg:$0x4] =	wrdreg $0xC0  }
0xb3: {  	_ =	task [dreg:s10], $0x5FFFF  }
0xb4: {  	[dreg:$0x1] =	wrdreg $0xFFFFFFFF  }
0xb5: {  	[dreg:$0x0] =	wrdreg $0x60  }
0xb6: {  	[dreg:$0x2] =	wrdreg s15  }
0xb7: {  	[dreg:$0x3] =	wrdreg s5  }
0xb8: {  	[dreg:$0x4] =	wrdreg s4  }
0xb9: {  	[dreg:$0x5] =	wrdreg s24  }
0xba: {  	[dreg:$0x6] =	wrdreg s16  }
0xbb: {  	[dreg:$0x7] =	wrdreg $0x9  }
0xbc: {  	_ =	task.clear_ibuf [dreg:s10], $0x8FFFF;
	_ =	strace $0x90000046  }
0xbd: {  	s29 =	simm.s32 $0x9;
	_ =	strace $0x80000048  }
0xbe: {  	_ =	swait.ge [sflag:s29], $0x1  }
0xbf: {  	[sflag:s29] =	ssyncadd.s32 $0xFFFFFFFF  }
0xc0: {  	_ =	strace $0x90000048  }
0xc1: {  	_ =	sfence  }
0xc2: {  	s30 =	sld [smem:$0x0];
	_ =	sdelay $0x2  }
0xc3: {  	s31 =	sshll.u32 s1, $0xD;
	s1 =	sshrl.u32 s1, $0x2  }
0xc4: {  	s3 =	sand.u32 $0x4000, s31;
	s1 =	sadd.s32 s1, s30  }
0xc5: {  	s0 =	sor.u32 s3, s0;
	s1 =	sshll.u32 s1, $0x11  }
0xc6: {  	s0 =	sor.u32 s1, s0  }
0xc7: {  	s0 =	sadd.s32 $0x8F2B, s0  }
0xc8: {  	[sflag:s0] =	ssyncadd.remote.s32 $0x1  }
0xc9: {  	_ =	sfence.sel $0xFFFF  }
0xca: {  	[dreg:$0x0] =	wrdreg $0xFFFFFFFF;
	(pc) =	sbr.abs _section_cstart, $3  }
0xcb: {  	[dreg:$0x1] =	wrdreg $0xFFFFFFFF  }
0xcc: {  	_ =	task.clear_ibuf [dreg:s10], $0x2FFFF;
	_ =	strace $0x9FFFFFFF  }
0xcd: {  	(tm) =	ssettm $0x7FFFFFFF  }
tec
execute0_lowered:
.L_overlay_start_1:
0x0: {  	(tag) =	ssettag $0x1  }
0x1: {  	s13 =	rddreg [dreg:$0x0]  }
0x2: {  	s1 =	rddreg [dreg:$0x1]  }
0x3: {  	s2 =	rddreg [dreg:$0x2];
	s3 =	srdreg.scid  }
0x4: {  	s11 =	rddreg [dreg:$0x3];
	s0 =	stileid.u32;
	s14 =	sand.u32 $0x1, s3  }
0x5: {  	s15 =	rddreg [dreg:$0x4];
	s5 =	sshll.u32 s0, $0xB;
	s6 =	sshll.u32 s14, $0xA  }
0x6: {  	s4 =	simm.s32 $0x0;
	s3 =	rddreg [dreg:$0x5];
	s16 =	sor.u32 s6, s5  }
0x7: {  	[smem:$0x7FF] =	sst s4;
	s12 =	sshrl.u32 s16, $0x3  }
0x8: {  	_ =	strace $0x80000047;
	s5 =	simm.s32 $0x3;
	s6 =	sadd.s32 s13, s12  }
0x9: {  	[tilespmem:s4], [sflag:$0x3] =	stream.linear.gather [hbm4b:s6+s4], $0x200, $0x38;
	[tilespmem:$0x10400] =	vst v63  }
0xa: {  	_ =	swait.ge [sflag:s5], $0x200  }
0xb: {  	[sflag:s5] =	ssyncset.done $0x0  }
0xc: {  	s7 =	simm.s32 $0x200;
	[sflag:s5] =	ssyncadd.s32 $0xFFFFFE00  }
0xd: {  	[tilespmem:s7], [sflag:$0x1] =	stream.indirect.gather [hbm4b:s1+s7], $0x80, s4, s7, $0xb8;
	[tilespmem:$0x10400] =	vst v63  }
0xe: {  	s8 =	simm.s32 $0x10200;
	s9 =	simm.s32 $0x1  }
0xf: {  	[tilespmem:s8], [sflag:$0x2] =	stream.indirect.gather [hbm4b:s2+s7], $0x1, s4, s7, $0xb8;
	[tilespmem:$0x10400] =	vst v63  }
0x10: {  	_ =	swait.ge [sflag:s9], $0x10000  }
0x11: {  	[sflag:s9] =	ssyncset.done $0x0  }
0x12: {  	s10 =	simm.s32 $0x2;
	[sflag:s9] =	ssyncadd.s32 $0xFFFF0000  }
0x13: {  	_ =	swait.ge [sflag:s10], $0x200  }
0x14: {  	s17 =	sadd.s32 $0x2400, s11;
	s30 =	sshll.u32 s16, $0x4;
	[sflag:s10] =	ssyncset.done $0x0  }
0x15: {  	s11 =	sadd.s32 s17, s30;
	[sflag:s10] =	ssyncadd.s32 $0xFFFFFE00  }
0x16: {  	[hbm4b:s11+s4] =	stream.linear.scatter [tilespmem:s7], [sflag:$0x3], $0x10000, $0x38;
	[tilespmem:$0x10400] =	vst v63  }
0x17: {  	_ =	swait.ge [sflag:s5], $0x10000  }
0x18: {  	[sflag:s5] =	ssyncset.done $0x0  }
0x19: {  	s12 =	sadd.s32 s15, s12;
	[sflag:s5] =	ssyncadd.s32 $0xFFFF0000  }
0x1a: {  	[hbm4b:s12+s4] =	stream.linear.scatter [tilespmem:s8], [sflag:$0x3], $0x200, $0x38;
	[tilespmem:$0x10400] =	vst v63  }
0x1b: {  	s16 =	sor.u32 $0x200, s16;
	_ =	swait.ge [sflag:s5], $0x200  }
0x1c: {  	s18 =	sshrl.u32 s16, $0x3;
	[sflag:s5] =	ssyncset.done $0x0  }
0x1d: {  	s13 =	sadd.s32 s13, s18;
	[sflag:s5] =	ssyncadd.s32 $0xFFFFFE00  }
0x1e: {  	[tilespmem:s4], [sflag:$0x3] =	stream.linear.gather [hbm4b:s13+s4], $0x200, $0x38;
	[tilespmem:$0x10400] =	vst v63  }
0x1f: {  	_ =	swait.ge [sflag:s5], $0x200  }
0x20: {  	[sflag:s5] =	ssyncset.done $0x0  }
0x21: {  	[sflag:s5] =	ssyncadd.s32 $0xFFFFFE00  }
0x22: {  	[tilespmem:s7], [sflag:$0x1] =	stream.indirect.gather [hbm4b:s1+s7], $0x80, s4, s7, $0xb8;
	[tilespmem:$0x10400] =	vst v63  }
0x23: {  	_ = 	snop  }
0x24: {  	[tilespmem:s8], [sflag:$0x2] =	stream.indirect.gather [hbm4b:s2+s7], $0x1, s4, s7, $0xb8;
	[tilespmem:$0x10400] =	vst v63  }
0x25: {  	_ =	swait.ge [sflag:s9], $0x10000  }
0x26: {  	[sflag:s9] =	ssyncset.done $0x0  }
0x27: {  	s19 =	ssub.s32 $0x2, s14;
	[sflag:s9] =	ssyncadd.s32 $0xFFFF0000  }
0x28: {  	s31 =	sshrl.u32 s19, $0x1;
	s16 =	sshll.u32 s16, $0x4;
	_ =	swait.ge [sflag:s10], $0x200  }
0x29: {  	s14 =	sadd.s32 s17, s16;
	s16 =	ssub.s32 s19, s31;
	[sflag:s10] =	ssyncset.done $0x0  }
0x2a: {  	s16 =	smax.u32 s16, $0x1;
	[sflag:s10] =	ssyncadd.s32 $0xFFFFFE00  }
0x2b: {  	[hbm4b:s14+s4] =	stream.linear.scatter [tilespmem:s7], [sflag:$0x3], $0x10000, $0x38;
	[tilespmem:$0x10400] =	vst v63  }
0x2c: {  	p0 =	sne.s32 s16, $0x1;
	_ =	swait.ge [sflag:s5], $0x10000  }
.Ltmp0:
0x2d: {  	[sflag:s5] =	ssyncset.done $0x0;
	(pc) =	sbr.rel @!p0 .LBB2_2-.Ltmp0, $4  }
0x2e: {  	s15 =	sadd.s32 s15, s18;
	[sflag:s5] =	ssyncadd.s32 $0xFFFF0000  }
0x2f: {  	[hbm4b:s15+s4] =	stream.linear.scatter [tilespmem:s8], [sflag:$0x3], $0x200, $0x38;
	[tilespmem:$0x10400] =	vst v63  }
0x30: {  	_ =	swait.ge [sflag:s5], $0x200  }
0x31: {  	s16 =	sadd.s32 $0xFFFFFFFF, s16;
	[sflag:s5] =	ssyncset.done $0x0  }
.LBB2_1:
0x32: {  	p0 =	sne.s32 s16, $0x1;
	s16 =	sadd.s32 $0xFFFFFFFF, s16;
	[sflag:s5] =	ssyncadd.s32 $0xFFFFFE00  }
0x33: {  	[tilespmem:s4], [sflag:$0x3] =	stream.linear.gather [hbm4b:s6+s4], $0x200, $0x38;
	[tilespmem:$0x10400] =	vst v63  }
0x34: {  	_ =	swait.ge [sflag:s5], $0x200  }
0x35: {  	[sflag:s5] =	ssyncset.done $0x0  }
0x36: {  	[sflag:s5] =	ssyncadd.s32 $0xFFFFFE00  }
0x37: {  	[tilespmem:s7], [sflag:$0x1] =	stream.indirect.gather [hbm4b:s1+s7], $0x80, s4, s7, $0xb8;
	[tilespmem:$0x10400] =	vst v63  }
0x38: {  	_ = 	snop  }
0x39: {  	[tilespmem:s8], [sflag:$0x2] =	stream.indirect.gather [hbm4b:s2+s7], $0x1, s4, s7, $0xb8;
	[tilespmem:$0x10400] =	vst v63  }
0x3a: {  	_ =	swait.ge [sflag:s9], $0x10000  }
0x3b: {  	[sflag:s9] =	ssyncset.done $0x0  }
0x3c: {  	[sflag:s9] =	ssyncadd.s32 $0xFFFF0000  }
0x3d: {  	_ =	swait.ge [sflag:s10], $0x200  }
0x3e: {  	[sflag:s10] =	ssyncset.done $0x0  }
0x3f: {  	[sflag:s10] =	ssyncadd.s32 $0xFFFFFE00  }
0x40: {  	[hbm4b:s11+s4] =	stream.linear.scatter [tilespmem:s7], [sflag:$0x3], $0x10000, $0x38;
	[tilespmem:$0x10400] =	vst v63  }
0x41: {  	_ =	swait.ge [sflag:s5], $0x10000  }
0x42: {  	[sflag:s5] =	ssyncset.done $0x0  }
0x43: {  	[sflag:s5] =	ssyncadd.s32 $0xFFFF0000  }
0x44: {  	[hbm4b:s12+s4] =	stream.linear.scatter [tilespmem:s8], [sflag:$0x3], $0x200, $0x38;
	[tilespmem:$0x10400] =	vst v63  }
0x45: {  	_ =	swait.ge [sflag:s5], $0x200  }
0x46: {  	[sflag:s5] =	ssyncset.done $0x0  }
0x47: {  	[sflag:s5] =	ssyncadd.s32 $0xFFFFFE00  }
0x48: {  	[tilespmem:s4], [sflag:$0x3] =	stream.linear.gather [hbm4b:s13+s4], $0x200, $0x38;
	[tilespmem:$0x10400] =	vst v63  }
0x49: {  	_ =	swait.ge [sflag:s5], $0x200  }
0x4a: {  	[sflag:s5] =	ssyncset.done $0x0  }
0x4b: {  	[sflag:s5] =	ssyncadd.s32 $0xFFFFFE00  }
0x4c: {  	[tilespmem:s7], [sflag:$0x1] =	stream.indirect.gather [hbm4b:s1+s7], $0x80, s4, s7, $0xb8;
	[tilespmem:$0x10400] =	vst v63  }
0x4d: {  	_ = 	snop  }
0x4e: {  	[tilespmem:s8], [sflag:$0x2] =	stream.indirect.gather [hbm4b:s2+s7], $0x1, s4, s7, $0xb8;
	[tilespmem:$0x10400] =	vst v63  }
0x4f: {  	_ =	swait.ge [sflag:s9], $0x10000  }
0x50: {  	[sflag:s9] =	ssyncset.done $0x0  }
0x51: {  	[sflag:s9] =	ssyncadd.s32 $0xFFFF0000  }
0x52: {  	_ =	swait.ge [sflag:s10], $0x200  }
0x53: {  	[sflag:s10] =	ssyncset.done $0x0  }
0x54: {  	[sflag:s10] =	ssyncadd.s32 $0xFFFFFE00  }
0x55: {  	[hbm4b:s14+s4] =	stream.linear.scatter [tilespmem:s7], [sflag:$0x3], $0x10000, $0x38;
	[tilespmem:$0x10400] =	vst v63  }
0x56: {  	_ =	swait.ge [sflag:s5], $0x10000  }
.Ltmp1:
0x57: {  	[sflag:s5] =	ssyncset.done $0x0;
	(pc) =	sbr.rel @p0 .LBB2_1-.Ltmp1, $4  }
0x58: {  	[sflag:s5] =	ssyncadd.s32 $0xFFFF0000  }
0x59: {  	[hbm4b:s15+s4] =	stream.linear.scatter [tilespmem:s8], [sflag:$0x3], $0x200, $0x38;
	[tilespmem:$0x10400] =	vst v63  }
0x5a: {  	_ =	swait.ge [sflag:s5], $0x200  }
0x5b: {  	[sflag:s5] =	ssyncset.done $0x0  }
.LBB2_2:
0x5c: {  	[sflag:s5] =	ssyncadd.s32 $0xFFFFFE00  }
0x5d: {  	_ =	sfence.sel $0x180000  }
0x5e: {  	[bflag:$0x0] =	sbarrier.arrive $0xFFFF  }
0x5f: {  	p0 =	sne.s32 s0, $0x0;
	_ =	strace $0x90000047  }
0x60: {  	s0 =	sadd.s32 @!p0 $0x100000, s3;
	[bflag:$0x2] =	sbarrier.arrive $0xFFFF  }
0x61: {  	[sflag:s0] =	ssyncadd.tile.s32 @!p0 $0x1;
	_ =	shalt  }
.Lfunc_end2:
_tile_overlayer_lowered:
.L_overlay_start_2:
0x62: {  	(tag) =	ssettag $0x2  }
0x63: {  	s0 =	rddreg [dreg:$0x0];
	s2 =	stileid.u32  }
0x64: {  	s1 =	rddreg [dreg:$0x1];
	p0 =	sne.s32 s2, $0x0  }
0x65: {  	s3 =	rddreg [dreg:$0x2];
	[bflag:$0x3] =	sbarrier.arrive $0xFFFF;
	s2 =	simm.s32 @!p0 $0x1C03  }
0x66: {  	[timem:s3], [sflag:s2] =	dma.local @!p0 [hbm:s0], s1  }
0x67: {  	s0 =	simm.s32 @!p0 $0x3  }
0x68: {  	_ =	swait.ge @!p0 [sflag:s0], s1  }
0x69: {  	s1 =	ssub.s32 @!p0 $0x0, s1;
	[sflag:s0] =	ssyncset.done @!p0 $0x0  }
0x6a: {  	[sflag:s0] =	ssyncadd.s32 @!p0 s1  }
0x6b: {  	[bflag:$0x3] =	sbarrier.arrive $0xFFFF  }
0x6c: {  	_ =	shalt  }

</sc_bundles>
